<compile_context>
chip_gen: v7x
topology: tpu7x:2x2x1
jax: 0.10.2.dev20260603
libtpu: 0.0.44.dev20260713+nightly
codegen_flags: <defaults>
</compile_context>

<pallas_src>
import functools

import jax
import jax.numpy as jnp
from jax import lax
from jax.experimental import pallas as pl
from jax.experimental.pallas import tpu as pltpu
from jax.experimental.pallas import tpu_sc as plsc

B = 16384
F = 26
V = 100000
D = 16
H0, H1, H2 = 256, 128, 64
FD = F * D

NC, NS = 2, 16
NW = NC * NS
N = B * F

VB = 8192
NVB = 13
VPG = NVB * VB


def _flatten_body(embT_ref, out_ref):
    out_ref[...] = embT_ref[...].T


def _tc_flatten(embT2):
    ng = -(-embT2.shape[0] // 128)
    return pl.pallas_call(
        _flatten_body,
        grid=(ng, NVB),
        in_specs=[pl.BlockSpec((128, VB), lambda g, j: (g, j))],
        out_specs=pl.BlockSpec((VB, 128), lambda g, j: (g * NVB + j, 0)),
        out_shape=jax.ShapeDtypeStruct((ng * VPG, 128), jnp.float32),
    )(embT2)


def _sc_gather(idx_e, emb_flat, per_w, ch, idx_l=None, lin_flat=None):
    mesh = plsc.VectorSubcoreMesh(core_axis_name="c", subcore_axis_name="s")
    n = idx_e.shape[0]
    nch = per_w // ch
    with_lin = idx_l is not None
    per_w_l = N // NW

    out_type = [jax.ShapeDtypeStruct((n, D), jnp.float32)]
    if with_lin:
        out_type.append(jax.ShapeDtypeStruct((N,), jnp.float32))
        scratch = [
            pltpu.VMEM((per_w,), jnp.int32),
            pltpu.VMEM((2, ch, D), jnp.float32),
            pltpu.VMEM((per_w_l,), jnp.int32),
            pltpu.VMEM((per_w_l,), jnp.float32),
            pltpu.SemaphoreType.DMA,
            pltpu.SemaphoreType.DMA,
            pltpu.SemaphoreType.DMA,
        ]
    else:
        scratch = [
            pltpu.VMEM((per_w,), jnp.int32),
            pltpu.VMEM((2, ch, D), jnp.float32),
            pltpu.SemaphoreType.DMA,
            pltpu.SemaphoreType.DMA,
        ]

    @functools.partial(
        pl.kernel,
        out_type=tuple(out_type),
        mesh=mesh,
        compiler_params=pltpu.CompilerParams(use_tc_tiling_on_sc=False),
        scratch_types=scratch,
    )
    def k(*refs):
        if with_lin:
            (idxe_hbm, idxl_hbm, emb_hbm, lin_hbm, rows_out, lin_out,
             idxe_v, rows_v, idxl_v, lin_v, sem0, sem1, seml) = refs
        else:
            (idxe_hbm, emb_hbm, rows_out,
             idxe_v, rows_v, sem0, sem1) = refs
        wid = lax.axis_index("s") * NC + lax.axis_index("c")
        base = wid * per_w
        pltpu.sync_copy(idxe_hbm.at[pl.ds(base, per_w)], idxe_v)
        if with_lin:
            basel = wid * per_w_l
            pltpu.sync_copy(idxl_hbm.at[pl.ds(basel, per_w_l)], idxl_v)
            lin_cp = pltpu.async_copy(lin_hbm.at[idxl_v], lin_v, seml)
        sems = (sem0, sem1)
        cps = [None, None]
        cps[0] = pltpu.async_copy(
            emb_hbm.at[idxe_v.at[pl.ds(0, ch)]], rows_v.at[0], sem0)
        for c in range(1, nch + 1):
            if c < nch:
                cps[c % 2] = pltpu.async_copy(
                    emb_hbm.at[idxe_v.at[pl.ds(c * ch, ch)]],
                    rows_v.at[c % 2], sems[c % 2])
            cps[(c - 1) % 2].wait()
            pltpu.sync_copy(rows_v.at[(c - 1) % 2],
                            rows_out.at[pl.ds(base + (c - 1) * ch, ch)])
        if with_lin:
            lin_cp.wait()
            pltpu.sync_copy(lin_v, lin_out.at[pl.ds(basel, per_w_l)])

    if with_lin:
        return k(idx_e, idx_l, emb_flat, lin_flat)
    return k(idx_e, emb_flat)


BM = 1024


def _mlp_body(feat, linv, bias, w0, b0, w1, b1, w2, b2, w3, b3, out):
    x = feat[...]
    h = jnp.maximum(jnp.dot(x, w0[...], preferred_element_type=jnp.float32)
                    + b0[...], 0.0)
    h = jnp.maximum(jnp.dot(h, w1[...], preferred_element_type=jnp.float32)
                    + b1[...], 0.0)
    h = jnp.maximum(jnp.dot(h, w2[...], preferred_element_type=jnp.float32)
                    + b2[...], 0.0)
    o = jnp.dot(h, w3[...], preferred_element_type=jnp.float32) + b3[...]
    wide = jnp.sum(linv[...], axis=1, keepdims=True) + bias[...]
    out[...] = jax.nn.sigmoid(o + wide)


def _tc_mlp(feat, linv, bias, W0, b0, W1, b1, W2, b2, W3, b3):
    grid = (B // BM,)
    const = lambda i: (0, 0)
    return pl.pallas_call(
        _mlp_body,
        grid=grid,
        in_specs=[
            pl.BlockSpec((BM, FD), lambda i: (i, 0)),
            pl.BlockSpec((BM, F), lambda i: (i, 0)),
            pl.BlockSpec((1, 1), const),
            pl.BlockSpec((FD, H0), const),
            pl.BlockSpec((1, H0), const),
            pl.BlockSpec((H0, H1), const),
            pl.BlockSpec((1, H1), const),
            pl.BlockSpec((H1, H2), const),
            pl.BlockSpec((1, H2), const),
            pl.BlockSpec((H2, 1), const),
            pl.BlockSpec((1, 1), const),
        ],
        out_specs=pl.BlockSpec((BM, 1), lambda i: (i, 0)),
        out_shape=jax.ShapeDtypeStruct((B, 1), jnp.float32),
    )(feat, linv, bias, W0, b0, W1, b1, W2, b2, W3, b3)


def _emb_idx(xi_cols, f_local):
    g = f_local // 8
    return (((g * NVB)[None, :] + xi_cols // VB) * (VB * 8)
            + (xi_cols % VB) * 8 + (f_local % 8)[None, :])


def kernel(x, lin_tables, emb_tables, bias, W0, b0, W1, b1, W2, b2, W3, b3):
    xi = x.astype(jnp.int32)
    f_rng = jnp.arange(F, dtype=jnp.int32)
    idx_e = _emb_idx(xi, f_rng).reshape(N)
    idx_l = (xi + (f_rng * V)[None, :]).reshape(N)
    embT2 = jnp.transpose(emb_tables, (0, 2, 1)).reshape(F * D, V)
    lin_flat = lin_tables.reshape(F * V)
    flat = _tc_flatten(embT2).reshape(4 * VPG * 8, D)
    rows, linv = _sc_gather(idx_e, flat, per_w=N // NW, ch=1664,
                            idx_l=idx_l, lin_flat=lin_flat)
    feat = rows.reshape(B, FD)
    linv = linv.reshape(B, F)
    out = _tc_mlp(feat, linv, bias.reshape(1, 1), W0, b0.reshape(1, H0),
                  W1, b1.reshape(1, H1), W2, b2.reshape(1, H2),
                  W3, b3.reshape(1, 1))
    return out.reshape(B)

# --- scband reference (transcript-rebuilt; emitter-appended) ---
"""Pipeline reference for scband-wide-deep-model-41214506172971 (READ-ONLY COPY).

The authoritative reference and input builder live on the scoring server;
editing this copy changes nothing except your own understanding.
"""

import jax, jax.numpy as jnp
import numpy as np

B = 16384
F = 26
V = 100000
D = 16
HIDDEN = [256, 128, 64]


def setup_inputs(seed: int = 0) -> dict:
    key = jax.random.key(seed)
    ks = jax.random.split(key, 12)
    x = jax.random.randint(ks[0], (B, F), 0, V)
    lin_tables = jax.random.normal(ks[1], (F, V), dtype=jnp.float32) * 0.01
    emb_tables = jax.random.normal(ks[2], (F, V, D), dtype=jnp.float32) * 0.01
    bias = jnp.zeros((1,), dtype=jnp.float32)
    dims = [F * D] + HIDDEN + [1]
    Ws = []
    bs = []
    for i in range(len(dims) - 1):
        fan_in, fan_out = dims[i], dims[i + 1]
        bound = float(np.sqrt(6.0 / (fan_in + fan_out)))
        Ws.append(jax.random.uniform(ks[3 + i], (fan_in, fan_out), dtype=jnp.float32, minval=-bound, maxval=bound))
        bs.append(jnp.zeros((fan_out,), dtype=jnp.float32))
    return {
        'x': x,
        'lin_tables': lin_tables,
        'emb_tables': emb_tables,
        'bias': bias,
        'W0': Ws[0], 'b0': bs[0],
        'W1': Ws[1], 'b1': bs[1],
        'W2': Ws[2], 'b2': bs[2],
        'W3': Ws[3], 'b3': bs[3],
    }


def reference(x, lin_tables, emb_tables, bias, W0, b0, W1, b1, W2, b2, W3, b3):
    field_ids = jnp.arange(F)[None, :]
    # wide (linear) part: per-field 1-dim embedding lookups, summed
    lin_vals = lin_tables[field_ids, x]              # [B, F]
    out = bias[None, :] + jnp.sum(lin_vals, axis=1, keepdims=True)  # [B, 1]
    # deep part: per-field D-dim embedding lookups
    emb_vals = emb_tables[field_ids, x]              # [B, F, D]
    dnn_in = emb_vals.reshape(B, F * D)
    h = jax.nn.relu(dnn_in @ W0 + b0)
    h = jax.nn.relu(h @ W1 + b1)
    h = jax.nn.relu(h @ W2 + b2)
    dnn_out = h @ W3 + b3                            # [B, 1]
    out = out + dnn_out
    return jax.nn.sigmoid(jnp.squeeze(out, axis=-1))

if __name__ == "__main__":
    import jax
    _d = setup_inputs()
    print(jax.jit(kernel)(*tuple(_d.values())))

</pallas_src>

<mosaic_0001>
#map = affine_map<(d0, d1) -> (0)>
#map1 = affine_map<(d0, d1) -> (0, 0)>
module attributes {stable_mosaic.version = 14 : i64} {
  func.func @k(%arg0: i32, %arg1: i32, %arg2: memref<425984xi32, #tpu.memory_space<hbm>>, %arg3: memref<425984xi32, #tpu.memory_space<hbm>>, %arg4: memref<3407872x16xf32, #tpu.memory_space<hbm>>, %arg5: memref<2600000xf32, #tpu.memory_space<hbm>>, %arg6: memref<425984x16xf32, #tpu.memory_space<hbm>>, %arg7: memref<425984xf32, #tpu.memory_space<hbm>>, %arg8: memref<13312xi32, #tpu.memory_space<vmem>>, %arg9: memref<2x1664x16xf32, #tpu.memory_space<vmem>>, %arg10: memref<13312xi32, #tpu.memory_space<vmem>>, %arg11: memref<13312xf32, #tpu.memory_space<vmem>>, %arg12: memref<!tpu.dma_semaphore, #tpu.memory_space<semaphore_mem>>, %arg13: memref<!tpu.dma_semaphore, #tpu.memory_space<semaphore_mem>>, %arg14: memref<!tpu.dma_semaphore, #tpu.memory_space<semaphore_mem>>) attributes {dimension_semantics = [#tpu.dimension_semantics<core_parallel>, #tpu.dimension_semantics<subcore_parallel>], iteration_bounds = array<i64: 2, 16>, scalar_prefetch = 0 : i64, scratch_operands = 7 : i64, tpu.core_type = #tpu.core_type<sc_vector_subcore>, window_params = [{transform_indices = #map}, {transform_indices = #map}, {transform_indices = #map1}, {transform_indices = #map}, {transform_indices = #map1}, {transform_indices = #map}]} {
    %mul3A = arith.constant 2 : i32
    %mul3A_0 = arith.muli %arg1, %mul3A : i32
    %add3A = arith.addi %mul3A_0, %arg0 : i32
    %mul3A_1 = arith.constant 13312 : i32
    %mul3A_2 = arith.muli %add3A, %mul3A_1 : i32
    "tpu.region"() ({
      %run_scoped3A_190 = tpu.sem_alloc : memref<!tpu.dma_semaphore, #tpu.memory_space<semaphore_mem>>
      %dma_start3A_191 = tpu.memref_slice %arg2[%mul3A_2] : memref<425984xi32, #tpu.memory_space<hbm>> -> memref<13312xi32, #tpu.memory_space<hbm>>
      %dma_start3A_192 = tpu.memref_slice %arg2[%mul3A_2] : memref<425984xi32, #tpu.memory_space<hbm>> -> memref<13312xi32, #tpu.memory_space<hbm>>
      tpu.enqueue_dma source(%dma_start3A_192 : memref<13312xi32, #tpu.memory_space<hbm>>) target(%arg8 : memref<13312xi32, #tpu.memory_space<vmem>>) target_semaphore(%run_scoped3A_190 : memref<!tpu.dma_semaphore, #tpu.memory_space<semaphore_mem>>)
      %dma_wait3A_193 = tpu.memref_slice %arg2[%mul3A_2] : memref<425984xi32, #tpu.memory_space<hbm>> -> memref<13312xi32, #tpu.memory_space<hbm>>
      %dma_wait3A_194 = tpu.memref_slice %arg2[%mul3A_2] : memref<425984xi32, #tpu.memory_space<hbm>> -> memref<13312xi32, #tpu.memory_space<hbm>>
      tpu.wait_dma2 semaphore(%run_scoped3A_190 : memref<!tpu.dma_semaphore, #tpu.memory_space<semaphore_mem>>) src(%dma_wait3A_194 : memref<13312xi32, #tpu.memory_space<hbm>>) dst(%arg8 : memref<13312xi32, #tpu.memory_space<vmem>>)
      tpu.yield
    }) : () -> ()
    %mul3A_3 = arith.constant 13312 : i32
    %mul3A_4 = arith.muli %add3A, %mul3A_3 : i32
    "tpu.region"() ({
      %run_scoped3A_190 = tpu.sem_alloc : memref<!tpu.dma_semaphore, #tpu.memory_space<semaphore_mem>>
      %dma_start3A_191 = tpu.memref_slice %arg3[%mul3A_4] : memref<425984xi32, #tpu.memory_space<hbm>> -> memref<13312xi32, #tpu.memory_space<hbm>>
      %dma_start3A_192 = tpu.memref_slice %arg3[%mul3A_4] : memref<425984xi32, #tpu.memory_space<hbm>> -> memref<13312xi32, #tpu.memory_space<hbm>>
      tpu.enqueue_dma source(%dma_start3A_192 : memref<13312xi32, #tpu.memory_space<hbm>>) target(%arg10 : memref<13312xi32, #tpu.memory_space<vmem>>) target_semaphore(%run_scoped3A_190 : memref<!tpu.dma_semaphore, #tpu.memory_space<semaphore_mem>>)
      %dma_wait3A_193 = tpu.memref_slice %arg3[%mul3A_4] : memref<425984xi32, #tpu.memory_space<hbm>> -> memref<13312xi32, #tpu.memory_space<hbm>>
      %dma_wait3A_194 = tpu.memref_slice %arg3[%mul3A_4] : memref<425984xi32, #tpu.memory_space<hbm>> -> memref<13312xi32, #tpu.memory_space<hbm>>
      tpu.wait_dma2 semaphore(%run_scoped3A_190 : memref<!tpu.dma_semaphore, #tpu.memory_space<semaphore_mem>>) src(%dma_wait3A_194 : memref<13312xi32, #tpu.memory_space<hbm>>) dst(%arg10 : memref<13312xi32, #tpu.memory_space<vmem>>)
      tpu.yield
    }) : () -> ()
    %dma_start3A = arith.constant 0 : i32
    %dma_start3A_5 = tpu.memref_slice %arg5[%dma_start3A] : memref<2600000xf32, #tpu.memory_space<hbm>> -> memref<2600000xf32, #tpu.memory_space<hbm>>
    tpu.enqueue_indirect_dma source(%dma_start3A_5 : memref<2600000xf32, #tpu.memory_space<hbm>>) target(%arg11 : memref<13312xf32, #tpu.memory_space<vmem>>) offsets(%arg10 : memref<13312xi32, #tpu.memory_space<vmem>>) semaphore(%arg14 : memref<!tpu.dma_semaphore, #tpu.memory_space<semaphore_mem>>)
    %dma_start3A_6 = arith.constant 0 : i32
    %dma_start3A_7 = arith.constant 0 : i32
    %dma_start3A_8 = arith.constant 0 : i32
    %dma_start3A_9 = tpu.memref_slice %arg9[%dma_start3A_6, %dma_start3A_7, %dma_start3A_8] : memref<2x1664x16xf32, #tpu.memory_space<vmem>> -> memref<1x1664x16xf32, #tpu.memory_space<vmem>>
    %dma_start3A_10 = tpu.memref_squeeze %dma_start3A_9 : memref<1x1664x16xf32, #tpu.memory_space<vmem>> -> memref<1664x16xf32, #tpu.memory_space<vmem>>
    %dma_start3A_11 = arith.constant 0 : i32
    %dma_start3A_12 = tpu.memref_slice %arg8[%dma_start3A_11] : memref<13312xi32, #tpu.memory_space<vmem>> -> memref<1664xi32, #tpu.memory_space<vmem>>
    %dma_start3A_13 = arith.constant 0 : i32
    %dma_start3A_14 = arith.constant 0 : i32
    %dma_start3A_15 = tpu.memref_slice %arg4[%dma_start3A_13, %dma_start3A_14] : memref<3407872x16xf32, #tpu.memory_space<hbm>> -> memref<3407872x16xf32, #tpu.memory_space<hbm>>
    tpu.enqueue_indirect_dma source(%dma_start3A_15 : memref<3407872x16xf32, #tpu.memory_space<hbm>>) target(%dma_start3A_10 : memref<1664x16xf32, #tpu.memory_space<vmem>>) offsets(%dma_start3A_12 : memref<1664xi32, #tpu.memory_space<vmem>>) semaphore(%arg12 : memref<!tpu.dma_semaphore, #tpu.memory_space<semaphore_mem>>)
    %dma_start3A_16 = arith.constant 1 : i32
    %dma_start3A_17 = arith.constant 0 : i32
    %dma_start3A_18 = arith.constant 0 : i32
    %dma_start3A_19 = tpu.memref_slice %arg9[%dma_start3A_16, %dma_start3A_17, %dma_start3A_18] : memref<2x1664x16xf32, #tpu.memory_space<vmem>> -> memref<1x1664x16xf32, #tpu.memory_space<vmem>>
    %dma_start3A_20 = tpu.memref_squeeze %dma_start3A_19 : memref<1x1664x16xf32, #tpu.memory_space<vmem>> -> memref<1664x16xf32, #tpu.memory_space<vmem>>
    %dma_start3A_21 = arith.constant 1664 : i32
    %dma_start3A_22 = tpu.memref_slice %arg8[%dma_start3A_21] : memref<13312xi32, #tpu.memory_space<vmem>> -> memref<1664xi32, #tpu.memory_space<vmem>>
    %dma_start3A_23 = arith.constant 0 : i32
    %dma_start3A_24 = arith.constant 0 : i32
    %dma_start3A_25 = tpu.memref_slice %arg4[%dma_start3A_23, %dma_start3A_24] : memref<3407872x16xf32, #tpu.memory_space<hbm>> -> memref<3407872x16xf32, #tpu.memory_space<hbm>>
    tpu.enqueue_indirect_dma source(%dma_start3A_25 : memref<3407872x16xf32, #tpu.memory_space<hbm>>) target(%dma_start3A_20 : memref<1664x16xf32, #tpu.memory_space<vmem>>) offsets(%dma_start3A_22 : memref<1664xi32, #tpu.memory_space<vmem>>) semaphore(%arg13 : memref<!tpu.dma_semaphore, #tpu.memory_space<semaphore_mem>>)
    %dma_wait3A = arith.constant 0 : i32
    %dma_wait3A_26 = arith.constant 0 : i32
    %dma_wait3A_27 = arith.constant 0 : i32
    %dma_wait3A_28 = tpu.memref_slice %arg9[%dma_wait3A, %dma_wait3A_26, %dma_wait3A_27] : memref<2x1664x16xf32, #tpu.memory_space<vmem>> -> memref<1x1664x16xf32, #tpu.memory_space<vmem>>
    %dma_wait3A_29 = tpu.memref_squeeze %dma_wait3A_28 : memref<1x1664x16xf32, #tpu.memory_space<vmem>> -> memref<1664x16xf32, #tpu.memory_space<vmem>>
    %dma_wait3A_30 = arith.constant 0 : i32
    %dma_wait3A_31 = tpu.memref_slice %arg8[%dma_wait3A_30] : memref<13312xi32, #tpu.memory_space<vmem>> -> memref<1664xi32, #tpu.memory_space<vmem>>
    %dma_wait3A_32 = arith.constant 0 : i32
    %dma_wait3A_33 = arith.constant 0 : i32
    %dma_wait3A_34 = tpu.memref_slice %arg4[%dma_wait3A_32, %dma_wait3A_33] : memref<3407872x16xf32, #tpu.memory_space<hbm>> -> memref<3407872x16xf32, #tpu.memory_space<hbm>>
    tpu.wait_indirect_dma semaphore(%arg12 : memref<!tpu.dma_semaphore, #tpu.memory_space<semaphore_mem>>) src(%dma_wait3A_34 : memref<3407872x16xf32, #tpu.memory_space<hbm>>) dst(%dma_wait3A_29 : memref<1664x16xf32, #tpu.memory_space<vmem>>)
    %add3A_35 = arith.constant 0 : i32
    %add3A_36 = arith.addi %mul3A_2, %add3A_35 : i32
    %run_scoped3A = arith.constant 0 : i32
    "tpu.region"() ({
      %run_scoped3A_190 = tpu.sem_alloc : memref<!tpu.dma_semaphore, #tpu.memory_space<semaphore_mem>>
      %dma_start3A_191 = arith.constant 0 : i32
      %dma_start3A_192 = arith.constant 0 : i32
      %dma_start3A_193 = tpu.memref_slice %arg9[%run_scoped3A, %dma_start3A_191, %dma_start3A_192] : memref<2x1664x16xf32, #tpu.memory_space<vmem>> -> memref<1x1664x16xf32, #tpu.memory_space<vmem>>
      %dma_start3A_194 = tpu.memref_squeeze %dma_start3A_193 : memref<1x1664x16xf32, #tpu.memory_space<vmem>> -> memref<1664x16xf32, #tpu.memory_space<vmem>>
      %dma_start3A_195 = arith.constant 0 : i32
      %dma_start3A_196 = tpu.memref_slice %arg6[%add3A_36, %dma_start3A_195] : memref<425984x16xf32, #tpu.memory_space<hbm>> -> memref<1664x16xf32, #tpu.memory_space<hbm>>
      %dma_start3A_197 = arith.constant 0 : i32
      %dma_start3A_198 = tpu.memref_slice %arg6[%add3A_36, %dma_start3A_197] : memref<425984x16xf32, #tpu.memory_space<hbm>> -> memref<1664x16xf32, #tpu.memory_space<hbm>>
      %dma_start3A_199 = arith.constant 0 : i32
      %dma_start3A_200 = arith.constant 0 : i32
      %dma_start3A_201 = tpu.memref_slice %arg9[%run_scoped3A, %dma_start3A_199, %dma_start3A_200] : memref<2x1664x16xf32, #tpu.memory_space<vmem>> -> memref<1x1664x16xf32, #tpu.memory_space<vmem>>
      %dma_start3A_202 = tpu.memref_squeeze %dma_start3A_201 : memref<1x1664x16xf32, #tpu.memory_space<vmem>> -> memref<1664x16xf32, #tpu.memory_space<vmem>>
      tpu.enqueue_dma source(%dma_start3A_202 : memref<1664x16xf32, #tpu.memory_space<vmem>>) target(%dma_start3A_198 : memref<1664x16xf32, #tpu.memory_space<hbm>>) target_semaphore(%run_scoped3A_190 : memref<!tpu.dma_semaphore, #tpu.memory_space<semaphore_mem>>)
      %dma_wait3A_203 = arith.constant 0 : i32
      %dma_wait3A_204 = arith.constant 0 : i32
      %dma_wait3A_205 = tpu.memref_slice %arg9[%run_scoped3A, %dma_wait3A_203, %dma_wait3A_204] : memref<2x1664x16xf32, #tpu.memory_space<vmem>> -> memref<1x1664x16xf32, #tpu.memory_space<vmem>>
      %dma_wait3A_206 = tpu.memref_squeeze %dma_wait3A_205 : memref<1x1664x16xf32, #tpu.memory_space<vmem>> -> memref<1664x16xf32, #tpu.memory_space<vmem>>
      %dma_wait3A_207 = arith.constant 0 : i32
      %dma_wait3A_208 = tpu.memref_slice %arg6[%add3A_36, %dma_wait3A_207] : memref<425984x16xf32, #tpu.memory_space<hbm>> -> memref<1664x16xf32, #tpu.memory_space<hbm>>
      %dma_wait3A_209 = arith.constant 0 : i32
      %dma_wait3A_210 = tpu.memref_slice %arg6[%add3A_36, %dma_wait3A_209] : memref<425984x16xf32, #tpu.memory_space<hbm>> -> memref<1664x16xf32, #tpu.memory_space<hbm>>
      %dma_wait3A_211 = arith.constant 0 : i32
      %dma_wait3A_212 = arith.constant 0 : i32
      %dma_wait3A_213 = tpu.memref_slice %arg9[%run_scoped3A, %dma_wait3A_211, %dma_wait3A_212] : memref<2x1664x16xf32, #tpu.memory_space<vmem>> -> memref<1x1664x16xf32, #tpu.memory_space<vmem>>
      %dma_wait3A_214 = tpu.memref_squeeze %dma_wait3A_213 : memref<1x1664x16xf32, #tpu.memory_space<vmem>> -> memref<1664x16xf32, #tpu.memory_space<vmem>>
      tpu.wait_dma2 semaphore(%run_scoped3A_190 : memref<!tpu.dma_semaphore, #tpu.memory_space<semaphore_mem>>) src(%dma_wait3A_214 : memref<1664x16xf32, #tpu.memory_space<vmem>>) dst(%dma_wait3A_210 : memref<1664x16xf32, #tpu.memory_space<hbm>>)
      tpu.yield
    }) : () -> ()
    %dma_start3A_37 = arith.constant 0 : i32
    %dma_start3A_38 = arith.constant 0 : i32
    %dma_start3A_39 = arith.constant 0 : i32
    %dma_start3A_40 = tpu.memref_slice %arg9[%dma_start3A_37, %dma_start3A_38, %dma_start3A_39] : memref<2x1664x16xf32, #tpu.memory_space<vmem>> -> memref<1x1664x16xf32, #tpu.memory_space<vmem>>
    %dma_start3A_41 = tpu.memref_squeeze %dma_start3A_40 : memref<1x1664x16xf32, #tpu.memory_space<vmem>> -> memref<1664x16xf32, #tpu.memory_space<vmem>>
    %dma_start3A_42 = arith.constant 3328 : i32
    %dma_start3A_43 = tpu.memref_slice %arg8[%dma_start3A_42] : memref<13312xi32, #tpu.memory_space<vmem>> -> memref<1664xi32, #tpu.memory_space<vmem>>
    %dma_start3A_44 = arith.constant 0 : i32
    %dma_start3A_45 = arith.constant 0 : i32
    %dma_start3A_46 = tpu.memref_slice %arg4[%dma_start3A_44, %dma_start3A_45] : memref<3407872x16xf32, #tpu.memory_space<hbm>> -> memref<3407872x16xf32, #tpu.memory_space<hbm>>
    tpu.enqueue_indirect_dma source(%dma_start3A_46 : memref<3407872x16xf32, #tpu.memory_space<hbm>>) target(%dma_start3A_41 : memref<1664x16xf32, #tpu.memory_space<vmem>>) offsets(%dma_start3A_43 : memref<1664xi32, #tpu.memory_space<vmem>>) semaphore(%arg12 : memref<!tpu.dma_semaphore, #tpu.memory_space<semaphore_mem>>)
    %dma_wait3A_47 = arith.constant 1 : i32
    %dma_wait3A_48 = arith.constant 0 : i32
    %dma_wait3A_49 = arith.constant 0 : i32
    %dma_wait3A_50 = tpu.memref_slice %arg9[%dma_wait3A_47, %dma_wait3A_48, %dma_wait3A_49] : memref<2x1664x16xf32, #tpu.memory_space<vmem>> -> memref<1x1664x16xf32, #tpu.memory_space<vmem>>
    %dma_wait3A_51 = tpu.memref_squeeze %dma_wait3A_50 : memref<1x1664x16xf32, #tpu.memory_space<vmem>> -> memref<1664x16xf32, #tpu.memory_space<vmem>>
    %dma_wait3A_52 = arith.constant 1664 : i32
    %dma_wait3A_53 = tpu.memref_slice %arg8[%dma_wait3A_52] : memref<13312xi32, #tpu.memory_space<vmem>> -> memref<1664xi32, #tpu.memory_space<vmem>>
    %dma_wait3A_54 = arith.constant 0 : i32
    %dma_wait3A_55 = arith.constant 0 : i32
    %dma_wait3A_56 = tpu.memref_slice %arg4[%dma_wait3A_54, %dma_wait3A_55] : memref<3407872x16xf32, #tpu.memory_space<hbm>> -> memref<3407872x16xf32, #tpu.memory_space<hbm>>
    tpu.wait_indirect_dma semaphore(%arg13 : memref<!tpu.dma_semaphore, #tpu.memory_space<semaphore_mem>>) src(%dma_wait3A_56 : memref<3407872x16xf32, #tpu.memory_space<hbm>>) dst(%dma_wait3A_51 : memref<1664x16xf32, #tpu.memory_space<vmem>>)
    %add3A_57 = arith.constant 1664 : i32
    %add3A_58 = arith.addi %mul3A_2, %add3A_57 : i32
    %run_scoped3A_59 = arith.constant 1 : i32
    "tpu.region"() ({
      %run_scoped3A_190 = tpu.sem_alloc : memref<!tpu.dma_semaphore, #tpu.memory_space<semaphore_mem>>
      %dma_start3A_191 = arith.constant 0 : i32
      %dma_start3A_192 = arith.constant 0 : i32
      %dma_start3A_193 = tpu.memref_slice %arg9[%run_scoped3A_59, %dma_start3A_191, %dma_start3A_192] : memref<2x1664x16xf32, #tpu.memory_space<vmem>> -> memref<1x1664x16xf32, #tpu.memory_space<vmem>>
      %dma_start3A_194 = tpu.memref_squeeze %dma_start3A_193 : memref<1x1664x16xf32, #tpu.memory_space<vmem>> -> memref<1664x16xf32, #tpu.memory_space<vmem>>
      %dma_start3A_195 = arith.constant 0 : i32
      %dma_start3A_196 = tpu.memref_slice %arg6[%add3A_58, %dma_start3A_195] : memref<425984x16xf32, #tpu.memory_space<hbm>> -> memref<1664x16xf32, #tpu.memory_space<hbm>>
      %dma_start3A_197 = arith.constant 0 : i32
      %dma_start3A_198 = tpu.memref_slice %arg6[%add3A_58, %dma_start3A_197] : memref<425984x16xf32, #tpu.memory_space<hbm>> -> memref<1664x16xf32, #tpu.memory_space<hbm>>
      %dma_start3A_199 = arith.constant 0 : i32
      %dma_start3A_200 = arith.constant 0 : i32
      %dma_start3A_201 = tpu.memref_slice %arg9[%run_scoped3A_59, %dma_start3A_199, %dma_start3A_200] : memref<2x1664x16xf32, #tpu.memory_space<vmem>> -> memref<1x1664x16xf32, #tpu.memory_space<vmem>>
      %dma_start3A_202 = tpu.memref_squeeze %dma_start3A_201 : memref<1x1664x16xf32, #tpu.memory_space<vmem>> -> memref<1664x16xf32, #tpu.memory_space<vmem>>
      tpu.enqueue_dma source(%dma_start3A_202 : memref<1664x16xf32, #tpu.memory_space<vmem>>) target(%dma_start3A_198 : memref<1664x16xf32, #tpu.memory_space<hbm>>) target_semaphore(%run_scoped3A_190 : memref<!tpu.dma_semaphore, #tpu.memory_space<semaphore_mem>>)
      %dma_wait3A_203 = arith.constant 0 : i32
      %dma_wait3A_204 = arith.constant 0 : i32
      %dma_wait3A_205 = tpu.memref_slice %arg9[%run_scoped3A_59, %dma_wait3A_203, %dma_wait3A_204] : memref<2x1664x16xf32, #tpu.memory_space<vmem>> -> memref<1x1664x16xf32, #tpu.memory_space<vmem>>
      %dma_wait3A_206 = tpu.memref_squeeze %dma_wait3A_205 : memref<1x1664x16xf32, #tpu.memory_space<vmem>> -> memref<1664x16xf32, #tpu.memory_space<vmem>>
      %dma_wait3A_207 = arith.constant 0 : i32
      %dma_wait3A_208 = tpu.memref_slice %arg6[%add3A_58, %dma_wait3A_207] : memref<425984x16xf32, #tpu.memory_space<hbm>> -> memref<1664x16xf32, #tpu.memory_space<hbm>>
      %dma_wait3A_209 = arith.constant 0 : i32
      %dma_wait3A_210 = tpu.memref_slice %arg6[%add3A_58, %dma_wait3A_209] : memref<425984x16xf32, #tpu.memory_space<hbm>> -> memref<1664x16xf32, #tpu.memory_space<hbm>>
      %dma_wait3A_211 = arith.constant 0 : i32
      %dma_wait3A_212 = arith.constant 0 : i32
      %dma_wait3A_213 = tpu.memref_slice %arg9[%run_scoped3A_59, %dma_wait3A_211, %dma_wait3A_212] : memref<2x1664x16xf32, #tpu.memory_space<vmem>> -> memref<1x1664x16xf32, #tpu.memory_space<vmem>>
      %dma_wait3A_214 = tpu.memref_squeeze %dma_wait3A_213 : memref<1x1664x16xf32, #tpu.memory_space<vmem>> -> memref<1664x16xf32, #tpu.memory_space<vmem>>
      tpu.wait_dma2 semaphore(%run_scoped3A_190 : memref<!tpu.dma_semaphore, #tpu.memory_space<semaphore_mem>>) src(%dma_wait3A_214 : memref<1664x16xf32, #tpu.memory_space<vmem>>) dst(%dma_wait3A_210 : memref<1664x16xf32, #tpu.memory_space<hbm>>)
      tpu.yield
    }) : () -> ()
    %dma_start3A_60 = arith.constant 1 : i32
    %dma_start3A_61 = arith.constant 0 : i32
    %dma_start3A_62 = arith.constant 0 : i32
    %dma_start3A_63 = tpu.memref_slice %arg9[%dma_start3A_60, %dma_start3A_61, %dma_start3A_62] : memref<2x1664x16xf32, #tpu.memory_space<vmem>> -> memref<1x1664x16xf32, #tpu.memory_space<vmem>>
    %dma_start3A_64 = tpu.memref_squeeze %dma_start3A_63 : memref<1x1664x16xf32, #tpu.memory_space<vmem>> -> memref<1664x16xf32, #tpu.memory_space<vmem>>
    %dma_start3A_65 = arith.constant 4992 : i32
    %dma_start3A_66 = tpu.memref_slice %arg8[%dma_start3A_65] : memref<13312xi32, #tpu.memory_space<vmem>> -> memref<1664xi32, #tpu.memory_space<vmem>>
    %dma_start3A_67 = arith.constant 0 : i32
    %dma_start3A_68 = arith.constant 0 : i32
    %dma_start3A_69 = tpu.memref_slice %arg4[%dma_start3A_67, %dma_start3A_68] : memref<3407872x16xf32, #tpu.memory_space<hbm>> -> memref<3407872x16xf32, #tpu.memory_space<hbm>>
    tpu.enqueue_indirect_dma source(%dma_start3A_69 : memref<3407872x16xf32, #tpu.memory_space<hbm>>) target(%dma_start3A_64 : memref<1664x16xf32, #tpu.memory_space<vmem>>) offsets(%dma_start3A_66 : memref<1664xi32, #tpu.memory_space<vmem>>) semaphore(%arg13 : memref<!tpu.dma_semaphore, #tpu.memory_space<semaphore_mem>>)
    %dma_wait3A_70 = arith.constant 0 : i32
    %dma_wait3A_71 = arith.constant 0 : i32
    %dma_wait3A_72 = arith.constant 0 : i32
    %dma_wait3A_73 = tpu.memref_slice %arg9[%dma_wait3A_70, %dma_wait3A_71, %dma_wait3A_72] : memref<2x1664x16xf32, #tpu.memory_space<vmem>> -> memref<1x1664x16xf32, #tpu.memory_space<vmem>>
    %dma_wait3A_74 = tpu.memref_squeeze %dma_wait3A_73 : memref<1x1664x16xf32, #tpu.memory_space<vmem>> -> memref<1664x16xf32, #tpu.memory_space<vmem>>
    %dma_wait3A_75 = arith.constant 3328 : i32
    %dma_wait3A_76 = tpu.memref_slice %arg8[%dma_wait3A_75] : memref<13312xi32, #tpu.memory_space<vmem>> -> memref<1664xi32, #tpu.memory_space<vmem>>
    %dma_wait3A_77 = arith.constant 0 : i32
    %dma_wait3A_78 = arith.constant 0 : i32
    %dma_wait3A_79 = tpu.memref_slice %arg4[%dma_wait3A_77, %dma_wait3A_78] : memref<3407872x16xf32, #tpu.memory_space<hbm>> -> memref<3407872x16xf32, #tpu.memory_space<hbm>>
    tpu.wait_indirect_dma semaphore(%arg12 : memref<!tpu.dma_semaphore, #tpu.memory_space<semaphore_mem>>) src(%dma_wait3A_79 : memref<3407872x16xf32, #tpu.memory_space<hbm>>) dst(%dma_wait3A_74 : memref<1664x16xf32, #tpu.memory_space<vmem>>)
    %add3A_80 = arith.constant 3328 : i32
    %add3A_81 = arith.addi %mul3A_2, %add3A_80 : i32
    %run_scoped3A_82 = arith.constant 0 : i32
    "tpu.region"() ({
      %run_scoped3A_190 = tpu.sem_alloc : memref<!tpu.dma_semaphore, #tpu.memory_space<semaphore_mem>>
      %dma_start3A_191 = arith.constant 0 : i32
      %dma_start3A_192 = arith.constant 0 : i32
      %dma_start3A_193 = tpu.memref_slice %arg9[%run_scoped3A_82, %dma_start3A_191, %dma_start3A_192] : memref<2x1664x16xf32, #tpu.memory_space<vmem>> -> memref<1x1664x16xf32, #tpu.memory_space<vmem>>
      %dma_start3A_194 = tpu.memref_squeeze %dma_start3A_193 : memref<1x1664x16xf32, #tpu.memory_space<vmem>> -> memref<1664x16xf32, #tpu.memory_space<vmem>>
      %dma_start3A_195 = arith.constant 0 : i32
      %dma_start3A_196 = tpu.memref_slice %arg6[%add3A_81, %dma_start3A_195] : memref<425984x16xf32, #tpu.memory_space<hbm>> -> memref<1664x16xf32, #tpu.memory_space<hbm>>
      %dma_start3A_197 = arith.constant 0 : i32
      %dma_start3A_198 = tpu.memref_slice %arg6[%add3A_81, %dma_start3A_197] : memref<425984x16xf32, #tpu.memory_space<hbm>> -> memref<1664x16xf32, #tpu.memory_space<hbm>>
      %dma_start3A_199 = arith.constant 0 : i32
      %dma_start3A_200 = arith.constant 0 : i32
      %dma_start3A_201 = tpu.memref_slice %arg9[%run_scoped3A_82, %dma_start3A_199, %dma_start3A_200] : memref<2x1664x16xf32, #tpu.memory_space<vmem>> -> memref<1x1664x16xf32, #tpu.memory_space<vmem>>
      %dma_start3A_202 = tpu.memref_squeeze %dma_start3A_201 : memref<1x1664x16xf32, #tpu.memory_space<vmem>> -> memref<1664x16xf32, #tpu.memory_space<vmem>>
      tpu.enqueue_dma source(%dma_start3A_202 : memref<1664x16xf32, #tpu.memory_space<vmem>>) target(%dma_start3A_198 : memref<1664x16xf32, #tpu.memory_space<hbm>>) target_semaphore(%run_scoped3A_190 : memref<!tpu.dma_semaphore, #tpu.memory_space<semaphore_mem>>)
      %dma_wait3A_203 = arith.constant 0 : i32
      %dma_wait3A_204 = arith.constant 0 : i32
      %dma_wait3A_205 = tpu.memref_slice %arg9[%run_scoped3A_82, %dma_wait3A_203, %dma_wait3A_204] : memref<2x1664x16xf32, #tpu.memory_space<vmem>> -> memref<1x1664x16xf32, #tpu.memory_space<vmem>>
      %dma_wait3A_206 = tpu.memref_squeeze %dma_wait3A_205 : memref<1x1664x16xf32, #tpu.memory_space<vmem>> -> memref<1664x16xf32, #tpu.memory_space<vmem>>
      %dma_wait3A_207 = arith.constant 0 : i32
      %dma_wait3A_208 = tpu.memref_slice %arg6[%add3A_81, %dma_wait3A_207] : memref<425984x16xf32, #tpu.memory_space<hbm>> -> memref<1664x16xf32, #tpu.memory_space<hbm>>
      %dma_wait3A_209 = arith.constant 0 : i32
      %dma_wait3A_210 = tpu.memref_slice %arg6[%add3A_81, %dma_wait3A_209] : memref<425984x16xf32, #tpu.memory_space<hbm>> -> memref<1664x16xf32, #tpu.memory_space<hbm>>
      %dma_wait3A_211 = arith.constant 0 : i32
      %dma_wait3A_212 = arith.constant 0 : i32
      %dma_wait3A_213 = tpu.memref_slice %arg9[%run_scoped3A_82, %dma_wait3A_211, %dma_wait3A_212] : memref<2x1664x16xf32, #tpu.memory_space<vmem>> -> memref<1x1664x16xf32, #tpu.memory_space<vmem>>
      %dma_wait3A_214 = tpu.memref_squeeze %dma_wait3A_213 : memref<1x1664x16xf32, #tpu.memory_space<vmem>> -> memref<1664x16xf32, #tpu.memory_space<vmem>>
      tpu.wait_dma2 semaphore(%run_scoped3A_190 : memref<!tpu.dma_semaphore, #tpu.memory_space<semaphore_mem>>) src(%dma_wait3A_214 : memref<1664x16xf32, #tpu.memory_space<vmem>>) dst(%dma_wait3A_210 : memref<1664x16xf32, #tpu.memory_space<hbm>>)
      tpu.yield
    }) : () -> ()
    %dma_start3A_83 = arith.constant 0 : i32
    %dma_start3A_84 = arith.constant 0 : i32
    %dma_start3A_85 = arith.constant 0 : i32
    %dma_start3A_86 = tpu.memref_slice %arg9[%dma_start3A_83, %dma_start3A_84, %dma_start3A_85] : memref<2x1664x16xf32, #tpu.memory_space<vmem>> -> memref<1x1664x16xf32, #tpu.memory_space<vmem>>
    %dma_start3A_87 = tpu.memref_squeeze %dma_start3A_86 : memref<1x1664x16xf32, #tpu.memory_space<vmem>> -> memref<1664x16xf32, #tpu.memory_space<vmem>>
    %dma_start3A_88 = arith.constant 6656 : i32
    %dma_start3A_89 = tpu.memref_slice %arg8[%dma_start3A_88] : memref<13312xi32, #tpu.memory_space<vmem>> -> memref<1664xi32, #tpu.memory_space<vmem>>
    %dma_start3A_90 = arith.constant 0 : i32
    %dma_start3A_91 = arith.constant 0 : i32
    %dma_start3A_92 = tpu.memref_slice %arg4[%dma_start3A_90, %dma_start3A_91] : memref<3407872x16xf32, #tpu.memory_space<hbm>> -> memref<3407872x16xf32, #tpu.memory_space<hbm>>
    tpu.enqueue_indirect_dma source(%dma_start3A_92 : memref<3407872x16xf32, #tpu.memory_space<hbm>>) target(%dma_start3A_87 : memref<1664x16xf32, #tpu.memory_space<vmem>>) offsets(%dma_start3A_89 : memref<1664xi32, #tpu.memory_space<vmem>>) semaphore(%arg12 : memref<!tpu.dma_semaphore, #tpu.memory_space<semaphore_mem>>)
    %dma_wait3A_93 = arith.constant 1 : i32
    %dma_wait3A_94 = arith.constant 0 : i32
    %dma_wait3A_95 = arith.constant 0 : i32
    %dma_wait3A_96 = tpu.memref_slice %arg9[%dma_wait3A_93, %dma_wait3A_94, %dma_wait3A_95] : memref<2x1664x16xf32, #tpu.memory_space<vmem>> -> memref<1x1664x16xf32, #tpu.memory_space<vmem>>
    %dma_wait3A_97 = tpu.memref_squeeze %dma_wait3A_96 : memref<1x1664x16xf32, #tpu.memory_space<vmem>> -> memref<1664x16xf32, #tpu.memory_space<vmem>>
    %dma_wait3A_98 = arith.constant 4992 : i32
    %dma_wait3A_99 = tpu.memref_slice %arg8[%dma_wait3A_98] : memref<13312xi32, #tpu.memory_space<vmem>> -> memref<1664xi32, #tpu.memory_space<vmem>>
    %dma_wait3A_100 = arith.constant 0 : i32
    %dma_wait3A_101 = arith.constant 0 : i32
    %dma_wait3A_102 = tpu.memref_slice %arg4[%dma_wait3A_100, %dma_wait3A_101] : memref<3407872x16xf32, #tpu.memory_space<hbm>> -> memref<3407872x16xf32, #tpu.memory_space<hbm>>
    tpu.wait_indirect_dma semaphore(%arg13 : memref<!tpu.dma_semaphore, #tpu.memory_space<semaphore_mem>>) src(%dma_wait3A_102 : memref<3407872x16xf32, #tpu.memory_space<hbm>>) dst(%dma_wait3A_97 : memref<1664x16xf32, #tpu.memory_space<vmem>>)
    %add3A_103 = arith.constant 4992 : i32
    %add3A_104 = arith.addi %mul3A_2, %add3A_103 : i32
    %run_scoped3A_105 = arith.constant 1 : i32
    "tpu.region"() ({
      %run_scoped3A_190 = tpu.sem_alloc : memref<!tpu.dma_semaphore, #tpu.memory_space<semaphore_mem>>
      %dma_start3A_191 = arith.constant 0 : i32
      %dma_start3A_192 = arith.constant 0 : i32
      %dma_start3A_193 = tpu.memref_slice %arg9[%run_scoped3A_105, %dma_start3A_191, %dma_start3A_192] : memref<2x1664x16xf32, #tpu.memory_space<vmem>> -> memref<1x1664x16xf32, #tpu.memory_space<vmem>>
      %dma_start3A_194 = tpu.memref_squeeze %dma_start3A_193 : memref<1x1664x16xf32, #tpu.memory_space<vmem>> -> memref<1664x16xf32, #tpu.memory_space<vmem>>
      %dma_start3A_195 = arith.constant 0 : i32
      %dma_start3A_196 = tpu.memref_slice %arg6[%add3A_104, %dma_start3A_195] : memref<425984x16xf32, #tpu.memory_space<hbm>> -> memref<1664x16xf32, #tpu.memory_space<hbm>>
      %dma_start3A_197 = arith.constant 0 : i32
      %dma_start3A_198 = tpu.memref_slice %arg6[%add3A_104, %dma_start3A_197] : memref<425984x16xf32, #tpu.memory_space<hbm>> -> memref<1664x16xf32, #tpu.memory_space<hbm>>
      %dma_start3A_199 = arith.constant 0 : i32
      %dma_start3A_200 = arith.constant 0 : i32
      %dma_start3A_201 = tpu.memref_slice %arg9[%run_scoped3A_105, %dma_start3A_199, %dma_start3A_200] : memref<2x1664x16xf32, #tpu.memory_space<vmem>> -> memref<1x1664x16xf32, #tpu.memory_space<vmem>>
      %dma_start3A_202 = tpu.memref_squeeze %dma_start3A_201 : memref<1x1664x16xf32, #tpu.memory_space<vmem>> -> memref<1664x16xf32, #tpu.memory_space<vmem>>
      tpu.enqueue_dma source(%dma_start3A_202 : memref<1664x16xf32, #tpu.memory_space<vmem>>) target(%dma_start3A_198 : memref<1664x16xf32, #tpu.memory_space<hbm>>) target_semaphore(%run_scoped3A_190 : memref<!tpu.dma_semaphore, #tpu.memory_space<semaphore_mem>>)
      %dma_wait3A_203 = arith.constant 0 : i32
      %dma_wait3A_204 = arith.constant 0 : i32
      %dma_wait3A_205 = tpu.memref_slice %arg9[%run_scoped3A_105, %dma_wait3A_203, %dma_wait3A_204] : memref<2x1664x16xf32, #tpu.memory_space<vmem>> -> memref<1x1664x16xf32, #tpu.memory_space<vmem>>
      %dma_wait3A_206 = tpu.memref_squeeze %dma_wait3A_205 : memref<1x1664x16xf32, #tpu.memory_space<vmem>> -> memref<1664x16xf32, #tpu.memory_space<vmem>>
      %dma_wait3A_207 = arith.constant 0 : i32
      %dma_wait3A_208 = tpu.memref_slice %arg6[%add3A_104, %dma_wait3A_207] : memref<425984x16xf32, #tpu.memory_space<hbm>> -> memref<1664x16xf32, #tpu.memory_space<hbm>>
      %dma_wait3A_209 = arith.constant 0 : i32
      %dma_wait3A_210 = tpu.memref_slice %arg6[%add3A_104, %dma_wait3A_209] : memref<425984x16xf32, #tpu.memory_space<hbm>> -> memref<1664x16xf32, #tpu.memory_space<hbm>>
      %dma_wait3A_211 = arith.constant 0 : i32
      %dma_wait3A_212 = arith.constant 0 : i32
      %dma_wait3A_213 = tpu.memref_slice %arg9[%run_scoped3A_105, %dma_wait3A_211, %dma_wait3A_212] : memref<2x1664x16xf32, #tpu.memory_space<vmem>> -> memref<1x1664x16xf32, #tpu.memory_space<vmem>>
      %dma_wait3A_214 = tpu.memref_squeeze %dma_wait3A_213 : memref<1x1664x16xf32, #tpu.memory_space<vmem>> -> memref<1664x16xf32, #tpu.memory_space<vmem>>
      tpu.wait_dma2 semaphore(%run_scoped3A_190 : memref<!tpu.dma_semaphore, #tpu.memory_space<semaphore_mem>>) src(%dma_wait3A_214 : memref<1664x16xf32, #tpu.memory_space<vmem>>) dst(%dma_wait3A_210 : memref<1664x16xf32, #tpu.memory_space<hbm>>)
      tpu.yield
    }) : () -> ()
    %dma_start3A_106 = arith.constant 1 : i32
    %dma_start3A_107 = arith.constant 0 : i32
    %dma_start3A_108 = arith.constant 0 : i32
    %dma_start3A_109 = tpu.memref_slice %arg9[%dma_start3A_106, %dma_start3A_107, %dma_start3A_108] : memref<2x1664x16xf32, #tpu.memory_space<vmem>> -> memref<1x1664x16xf32, #tpu.memory_space<vmem>>
    %dma_start3A_110 = tpu.memref_squeeze %dma_start3A_109 : memref<1x1664x16xf32, #tpu.memory_space<vmem>> -> memref<1664x16xf32, #tpu.memory_space<vmem>>
    %dma_start3A_111 = arith.constant 8320 : i32
    %dma_start3A_112 = tpu.memref_slice %arg8[%dma_start3A_111] : memref<13312xi32, #tpu.memory_space<vmem>> -> memref<1664xi32, #tpu.memory_space<vmem>>
    %dma_start3A_113 = arith.constant 0 : i32
    %dma_start3A_114 = arith.constant 0 : i32
    %dma_start3A_115 = tpu.memref_slice %arg4[%dma_start3A_113, %dma_start3A_114] : memref<3407872x16xf32, #tpu.memory_space<hbm>> -> memref<3407872x16xf32, #tpu.memory_space<hbm>>
    tpu.enqueue_indirect_dma source(%dma_start3A_115 : memref<3407872x16xf32, #tpu.memory_space<hbm>>) target(%dma_start3A_110 : memref<1664x16xf32, #tpu.memory_space<vmem>>) offsets(%dma_start3A_112 : memref<1664xi32, #tpu.memory_space<vmem>>) semaphore(%arg13 : memref<!tpu.dma_semaphore, #tpu.memory_space<semaphore_mem>>)
    %dma_wait3A_116 = arith.constant 0 : i32
    %dma_wait3A_117 = arith.constant 0 : i32
    %dma_wait3A_118 = arith.constant 0 : i32
    %dma_wait3A_119 = tpu.memref_slice %arg9[%dma_wait3A_116, %dma_wait3A_117, %dma_wait3A_118] : memref<2x1664x16xf32, #tpu.memory_space<vmem>> -> memref<1x1664x16xf32, #tpu.memory_space<vmem>>
    %dma_wait3A_120 = tpu.memref_squeeze %dma_wait3A_119 : memref<1x1664x16xf32, #tpu.memory_space<vmem>> -> memref<1664x16xf32, #tpu.memory_space<vmem>>
    %dma_wait3A_121 = arith.constant 6656 : i32
    %dma_wait3A_122 = tpu.memref_slice %arg8[%dma_wait3A_121] : memref<13312xi32, #tpu.memory_space<vmem>> -> memref<1664xi32, #tpu.memory_space<vmem>>
    %dma_wait3A_123 = arith.constant 0 : i32
    %dma_wait3A_124 = arith.constant 0 : i32
    %dma_wait3A_125 = tpu.memref_slice %arg4[%dma_wait3A_123, %dma_wait3A_124] : memref<3407872x16xf32, #tpu.memory_space<hbm>> -> memref<3407872x16xf32, #tpu.memory_space<hbm>>
    tpu.wait_indirect_dma semaphore(%arg12 : memref<!tpu.dma_semaphore, #tpu.memory_space<semaphore_mem>>) src(%dma_wait3A_125 : memref<3407872x16xf32, #tpu.memory_space<hbm>>) dst(%dma_wait3A_120 : memref<1664x16xf32, #tpu.memory_space<vmem>>)
    %add3A_126 = arith.constant 6656 : i32
    %add3A_127 = arith.addi %mul3A_2, %add3A_126 : i32
    %run_scoped3A_128 = arith.constant 0 : i32
    "tpu.region"() ({
      %run_scoped3A_190 = tpu.sem_alloc : memref<!tpu.dma_semaphore, #tpu.memory_space<semaphore_mem>>
      %dma_start3A_191 = arith.constant 0 : i32
      %dma_start3A_192 = arith.constant 0 : i32
      %dma_start3A_193 = tpu.memref_slice %arg9[%run_scoped3A_128, %dma_start3A_191, %dma_start3A_192] : memref<2x1664x16xf32, #tpu.memory_space<vmem>> -> memref<1x1664x16xf32, #tpu.memory_space<vmem>>
      %dma_start3A_194 = tpu.memref_squeeze %dma_start3A_193 : memref<1x1664x16xf32, #tpu.memory_space<vmem>> -> memref<1664x16xf32, #tpu.memory_space<vmem>>
      %dma_start3A_195 = arith.constant 0 : i32
      %dma_start3A_196 = tpu.memref_slice %arg6[%add3A_127, %dma_start3A_195] : memref<425984x16xf32, #tpu.memory_space<hbm>> -> memref<1664x16xf32, #tpu.memory_space<hbm>>
      %dma_start3A_197 = arith.constant 0 : i32
      %dma_start3A_198 = tpu.memref_slice %arg6[%add3A_127, %dma_start3A_197] : memref<425984x16xf32, #tpu.memory_space<hbm>> -> memref<1664x16xf32, #tpu.memory_space<hbm>>
      %dma_start3A_199 = arith.constant 0 : i32
      %dma_start3A_200 = arith.constant 0 : i32
      %dma_start3A_201 = tpu.memref_slice %arg9[%run_scoped3A_128, %dma_start3A_199, %dma_start3A_200] : memref<2x1664x16xf32, #tpu.memory_space<vmem>> -> memref<1x1664x16xf32, #tpu.memory_space<vmem>>
      %dma_start3A_202 = tpu.memref_squeeze %dma_start3A_201 : memref<1x1664x16xf32, #tpu.memory_space<vmem>> -> memref<1664x16xf32, #tpu.memory_space<vmem>>
      tpu.enqueue_dma source(%dma_start3A_202 : memref<1664x16xf32, #tpu.memory_space<vmem>>) target(%dma_start3A_198 : memref<1664x16xf32, #tpu.memory_space<hbm>>) target_semaphore(%run_scoped3A_190 : memref<!tpu.dma_semaphore, #tpu.memory_space<semaphore_mem>>)
      %dma_wait3A_203 = arith.constant 0 : i32
      %dma_wait3A_204 = arith.constant 0 : i32
      %dma_wait3A_205 = tpu.memref_slice %arg9[%run_scoped3A_128, %dma_wait3A_203, %dma_wait3A_204] : memref<2x1664x16xf32, #tpu.memory_space<vmem>> -> memref<1x1664x16xf32, #tpu.memory_space<vmem>>
      %dma_wait3A_206 = tpu.memref_squeeze %dma_wait3A_205 : memref<1x1664x16xf32, #tpu.memory_space<vmem>> -> memref<1664x16xf32, #tpu.memory_space<vmem>>
      %dma_wait3A_207 = arith.constant 0 : i32
      %dma_wait3A_208 = tpu.memref_slice %arg6[%add3A_127, %dma_wait3A_207] : memref<425984x16xf32, #tpu.memory_space<hbm>> -> memref<1664x16xf32, #tpu.memory_space<hbm>>
      %dma_wait3A_209 = arith.constant 0 : i32
      %dma_wait3A_210 = tpu.memref_slice %arg6[%add3A_127, %dma_wait3A_209] : memref<425984x16xf32, #tpu.memory_space<hbm>> -> memref<1664x16xf32, #tpu.memory_space<hbm>>
      %dma_wait3A_211 = arith.constant 0 : i32
      %dma_wait3A_212 = arith.constant 0 : i32
      %dma_wait3A_213 = tpu.memref_slice %arg9[%run_scoped3A_128, %dma_wait3A_211, %dma_wait3A_212] : memref<2x1664x16xf32, #tpu.memory_space<vmem>> -> memref<1x1664x16xf32, #tpu.memory_space<vmem>>
      %dma_wait3A_214 = tpu.memref_squeeze %dma_wait3A_213 : memref<1x1664x16xf32, #tpu.memory_space<vmem>> -> memref<1664x16xf32, #tpu.memory_space<vmem>>
      tpu.wait_dma2 semaphore(%run_scoped3A_190 : memref<!tpu.dma_semaphore, #tpu.memory_space<semaphore_mem>>) src(%dma_wait3A_214 : memref<1664x16xf32, #tpu.memory_space<vmem>>) dst(%dma_wait3A_210 : memref<1664x16xf32, #tpu.memory_space<hbm>>)
      tpu.yield
    }) : () -> ()
    %dma_start3A_129 = arith.constant 0 : i32
    %dma_start3A_130 = arith.constant 0 : i32
    %dma_start3A_131 = arith.constant 0 : i32
    %dma_start3A_132 = tpu.memref_slice %arg9[%dma_start3A_129, %dma_start3A_130, %dma_start3A_131] : memref<2x1664x16xf32, #tpu.memory_space<vmem>> -> memref<1x1664x16xf32, #tpu.memory_space<vmem>>
    %dma_start3A_133 = tpu.memref_squeeze %dma_start3A_132 : memref<1x1664x16xf32, #tpu.memory_space<vmem>> -> memref<1664x16xf32, #tpu.memory_space<vmem>>
    %dma_start3A_134 = arith.constant 9984 : i32
    %dma_start3A_135 = tpu.memref_slice %arg8[%dma_start3A_134] : memref<13312xi32, #tpu.memory_space<vmem>> -> memref<1664xi32, #tpu.memory_space<vmem>>
    %dma_start3A_136 = arith.constant 0 : i32
    %dma_start3A_137 = arith.constant 0 : i32
    %dma_start3A_138 = tpu.memref_slice %arg4[%dma_start3A_136, %dma_start3A_137] : memref<3407872x16xf32, #tpu.memory_space<hbm>> -> memref<3407872x16xf32, #tpu.memory_space<hbm>>
    tpu.enqueue_indirect_dma source(%dma_start3A_138 : memref<3407872x16xf32, #tpu.memory_space<hbm>>) target(%dma_start3A_133 : memref<1664x16xf32, #tpu.memory_space<vmem>>) offsets(%dma_start3A_135 : memref<1664xi32, #tpu.memory_space<vmem>>) semaphore(%arg12 : memref<!tpu.dma_semaphore, #tpu.memory_space<semaphore_mem>>)
    %dma_wait3A_139 = arith.constant 1 : i32
    %dma_wait3A_140 = arith.constant 0 : i32
    %dma_wait3A_141 = arith.constant 0 : i32
    %dma_wait3A_142 = tpu.memref_slice %arg9[%dma_wait3A_139, %dma_wait3A_140, %dma_wait3A_141] : memref<2x1664x16xf32, #tpu.memory_space<vmem>> -> memref<1x1664x16xf32, #tpu.memory_space<vmem>>
    %dma_wait3A_143 = tpu.memref_squeeze %dma_wait3A_142 : memref<1x1664x16xf32, #tpu.memory_space<vmem>> -> memref<1664x16xf32, #tpu.memory_space<vmem>>
    %dma_wait3A_144 = arith.constant 8320 : i32
    %dma_wait3A_145 = tpu.memref_slice %arg8[%dma_wait3A_144] : memref<13312xi32, #tpu.memory_space<vmem>> -> memref<1664xi32, #tpu.memory_space<vmem>>
    %dma_wait3A_146 = arith.constant 0 : i32
    %dma_wait3A_147 = arith.constant 0 : i32
    %dma_wait3A_148 = tpu.memref_slice %arg4[%dma_wait3A_146, %dma_wait3A_147] : memref<3407872x16xf32, #tpu.memory_space<hbm>> -> memref<3407872x16xf32, #tpu.memory_space<hbm>>
    tpu.wait_indirect_dma semaphore(%arg13 : memref<!tpu.dma_semaphore, #tpu.memory_space<semaphore_mem>>) src(%dma_wait3A_148 : memref<3407872x16xf32, #tpu.memory_space<hbm>>) dst(%dma_wait3A_143 : memref<1664x16xf32, #tpu.memory_space<vmem>>)
    %add3A_149 = arith.constant 8320 : i32
    %add3A_150 = arith.addi %mul3A_2, %add3A_149 : i32
    %run_scoped3A_151 = arith.constant 1 : i32
    "tpu.region"() ({
      %run_scoped3A_190 = tpu.sem_alloc : memref<!tpu.dma_semaphore, #tpu.memory_space<semaphore_mem>>
      %dma_start3A_191 = arith.constant 0 : i32
      %dma_start3A_192 = arith.constant 0 : i32
      %dma_start3A_193 = tpu.memref_slice %arg9[%run_scoped3A_151, %dma_start3A_191, %dma_start3A_192] : memref<2x1664x16xf32, #tpu.memory_space<vmem>> -> memref<1x1664x16xf32, #tpu.memory_space<vmem>>
      %dma_start3A_194 = tpu.memref_squeeze %dma_start3A_193 : memref<1x1664x16xf32, #tpu.memory_space<vmem>> -> memref<1664x16xf32, #tpu.memory_space<vmem>>
      %dma_start3A_195 = arith.constant 0 : i32
      %dma_start3A_196 = tpu.memref_slice %arg6[%add3A_150, %dma_start3A_195] : memref<425984x16xf32, #tpu.memory_space<hbm>> -> memref<1664x16xf32, #tpu.memory_space<hbm>>
      %dma_start3A_197 = arith.constant 0 : i32
      %dma_start3A_198 = tpu.memref_slice %arg6[%add3A_150, %dma_start3A_197] : memref<425984x16xf32, #tpu.memory_space<hbm>> -> memref<1664x16xf32, #tpu.memory_space<hbm>>
      %dma_start3A_199 = arith.constant 0 : i32
      %dma_start3A_200 = arith.constant 0 : i32
      %dma_start3A_201 = tpu.memref_slice %arg9[%run_scoped3A_151, %dma_start3A_199, %dma_start3A_200] : memref<2x1664x16xf32, #tpu.memory_space<vmem>> -> memref<1x1664x16xf32, #tpu.memory_space<vmem>>
      %dma_start3A_202 = tpu.memref_squeeze %dma_start3A_201 : memref<1x1664x16xf32, #tpu.memory_space<vmem>> -> memref<1664x16xf32, #tpu.memory_space<vmem>>
      tpu.enqueue_dma source(%dma_start3A_202 : memref<1664x16xf32, #tpu.memory_space<vmem>>) target(%dma_start3A_198 : memref<1664x16xf32, #tpu.memory_space<hbm>>) target_semaphore(%run_scoped3A_190 : memref<!tpu.dma_semaphore, #tpu.memory_space<semaphore_mem>>)
      %dma_wait3A_203 = arith.constant 0 : i32
      %dma_wait3A_204 = arith.constant 0 : i32
      %dma_wait3A_205 = tpu.memref_slice %arg9[%run_scoped3A_151, %dma_wait3A_203, %dma_wait3A_204] : memref<2x1664x16xf32, #tpu.memory_space<vmem>> -> memref<1x1664x16xf32, #tpu.memory_space<vmem>>
      %dma_wait3A_206 = tpu.memref_squeeze %dma_wait3A_205 : memref<1x1664x16xf32, #tpu.memory_space<vmem>> -> memref<1664x16xf32, #tpu.memory_space<vmem>>
      %dma_wait3A_207 = arith.constant 0 : i32
      %dma_wait3A_208 = tpu.memref_slice %arg6[%add3A_150, %dma_wait3A_207] : memref<425984x16xf32, #tpu.memory_space<hbm>> -> memref<1664x16xf32, #tpu.memory_space<hbm>>
      %dma_wait3A_209 = arith.constant 0 : i32
      %dma_wait3A_210 = tpu.memref_slice %arg6[%add3A_150, %dma_wait3A_209] : memref<425984x16xf32, #tpu.memory_space<hbm>> -> memref<1664x16xf32, #tpu.memory_space<hbm>>
      %dma_wait3A_211 = arith.constant 0 : i32
      %dma_wait3A_212 = arith.constant 0 : i32
      %dma_wait3A_213 = tpu.memref_slice %arg9[%run_scoped3A_151, %dma_wait3A_211, %dma_wait3A_212] : memref<2x1664x16xf32, #tpu.memory_space<vmem>> -> memref<1x1664x16xf32, #tpu.memory_space<vmem>>
      %dma_wait3A_214 = tpu.memref_squeeze %dma_wait3A_213 : memref<1x1664x16xf32, #tpu.memory_space<vmem>> -> memref<1664x16xf32, #tpu.memory_space<vmem>>
      tpu.wait_dma2 semaphore(%run_scoped3A_190 : memref<!tpu.dma_semaphore, #tpu.memory_space<semaphore_mem>>) src(%dma_wait3A_214 : memref<1664x16xf32, #tpu.memory_space<vmem>>) dst(%dma_wait3A_210 : memref<1664x16xf32, #tpu.memory_space<hbm>>)
      tpu.yield
    }) : () -> ()
    %dma_start3A_152 = arith.constant 1 : i32
    %dma_start3A_153 = arith.constant 0 : i32
    %dma_start3A_154 = arith.constant 0 : i32
    %dma_start3A_155 = tpu.memref_slice %arg9[%dma_start3A_152, %dma_start3A_153, %dma_start3A_154] : memref<2x1664x16xf32, #tpu.memory_space<vmem>> -> memref<1x1664x16xf32, #tpu.memory_space<vmem>>
    %dma_start3A_156 = tpu.memref_squeeze %dma_start3A_155 : memref<1x1664x16xf32, #tpu.memory_space<vmem>> -> memref<1664x16xf32, #tpu.memory_space<vmem>>
    %dma_start3A_157 = arith.constant 11648 : i32
    %dma_start3A_158 = tpu.memref_slice %arg8[%dma_start3A_157] : memref<13312xi32, #tpu.memory_space<vmem>> -> memref<1664xi32, #tpu.memory_space<vmem>>
    %dma_start3A_159 = arith.constant 0 : i32
    %dma_start3A_160 = arith.constant 0 : i32
    %dma_start3A_161 = tpu.memref_slice %arg4[%dma_start3A_159, %dma_start3A_160] : memref<3407872x16xf32, #tpu.memory_space<hbm>> -> memref<3407872x16xf32, #tpu.memory_space<hbm>>
    tpu.enqueue_indirect_dma source(%dma_start3A_161 : memref<3407872x16xf32, #tpu.memory_space<hbm>>) target(%dma_start3A_156 : memref<1664x16xf32, #tpu.memory_space<vmem>>) offsets(%dma_start3A_158 : memref<1664xi32, #tpu.memory_space<vmem>>) semaphore(%arg13 : memref<!tpu.dma_semaphore, #tpu.memory_space<semaphore_mem>>)
    %dma_wait3A_162 = arith.constant 0 : i32
    %dma_wait3A_163 = arith.constant 0 : i32
    %dma_wait3A_164 = arith.constant 0 : i32
    %dma_wait3A_165 = tpu.memref_slice %arg9[%dma_wait3A_162, %dma_wait3A_163, %dma_wait3A_164] : memref<2x1664x16xf32, #tpu.memory_space<vmem>> -> memref<1x1664x16xf32, #tpu.memory_space<vmem>>
    %dma_wait3A_166 = tpu.memref_squeeze %dma_wait3A_165 : memref<1x1664x16xf32, #tpu.memory_space<vmem>> -> memref<1664x16xf32, #tpu.memory_space<vmem>>
    %dma_wait3A_167 = arith.constant 9984 : i32
    %dma_wait3A_168 = tpu.memref_slice %arg8[%dma_wait3A_167] : memref<13312xi32, #tpu.memory_space<vmem>> -> memref<1664xi32, #tpu.memory_space<vmem>>
    %dma_wait3A_169 = arith.constant 0 : i32
    %dma_wait3A_170 = arith.constant 0 : i32
    %dma_wait3A_171 = tpu.memref_slice %arg4[%dma_wait3A_169, %dma_wait3A_170] : memref<3407872x16xf32, #tpu.memory_space<hbm>> -> memref<3407872x16xf32, #tpu.memory_space<hbm>>
    tpu.wait_indirect_dma semaphore(%arg12 : memref<!tpu.dma_semaphore, #tpu.memory_space<semaphore_mem>>) src(%dma_wait3A_171 : memref<3407872x16xf32, #tpu.memory_space<hbm>>) dst(%dma_wait3A_166 : memref<1664x16xf32, #tpu.memory_space<vmem>>)
    %add3A_172 = arith.constant 9984 : i32
    %add3A_173 = arith.addi %mul3A_2, %add3A_172 : i32
    %run_scoped3A_174 = arith.constant 0 : i32
    "tpu.region"() ({
      %run_scoped3A_190 = tpu.sem_alloc : memref<!tpu.dma_semaphore, #tpu.memory_space<semaphore_mem>>
      %dma_start3A_191 = arith.constant 0 : i32
      %dma_start3A_192 = arith.constant 0 : i32
      %dma_start3A_193 = tpu.memref_slice %arg9[%run_scoped3A_174, %dma_start3A_191, %dma_start3A_192] : memref<2x1664x16xf32, #tpu.memory_space<vmem>> -> memref<1x1664x16xf32, #tpu.memory_space<vmem>>
      %dma_start3A_194 = tpu.memref_squeeze %dma_start3A_193 : memref<1x1664x16xf32, #tpu.memory_space<vmem>> -> memref<1664x16xf32, #tpu.memory_space<vmem>>
      %dma_start3A_195 = arith.constant 0 : i32
      %dma_start3A_196 = tpu.memref_slice %arg6[%add3A_173, %dma_start3A_195] : memref<425984x16xf32, #tpu.memory_space<hbm>> -> memref<1664x16xf32, #tpu.memory_space<hbm>>
      %dma_start3A_197 = arith.constant 0 : i32
      %dma_start3A_198 = tpu.memref_slice %arg6[%add3A_173, %dma_start3A_197] : memref<425984x16xf32, #tpu.memory_space<hbm>> -> memref<1664x16xf32, #tpu.memory_space<hbm>>
      %dma_start3A_199 = arith.constant 0 : i32
      %dma_start3A_200 = arith.constant 0 : i32
      %dma_start3A_201 = tpu.memref_slice %arg9[%run_scoped3A_174, %dma_start3A_199, %dma_start3A_200] : memref<2x1664x16xf32, #tpu.memory_space<vmem>> -> memref<1x1664x16xf32, #tpu.memory_space<vmem>>
      %dma_start3A_202 = tpu.memref_squeeze %dma_start3A_201 : memref<1x1664x16xf32, #tpu.memory_space<vmem>> -> memref<1664x16xf32, #tpu.memory_space<vmem>>
      tpu.enqueue_dma source(%dma_start3A_202 : memref<1664x16xf32, #tpu.memory_space<vmem>>) target(%dma_start3A_198 : memref<1664x16xf32, #tpu.memory_space<hbm>>) target_semaphore(%run_scoped3A_190 : memref<!tpu.dma_semaphore, #tpu.memory_space<semaphore_mem>>)
      %dma_wait3A_203 = arith.constant 0 : i32
      %dma_wait3A_204 = arith.constant 0 : i32
      %dma_wait3A_205 = tpu.memref_slice %arg9[%run_scoped3A_174, %dma_wait3A_203, %dma_wait3A_204] : memref<2x1664x16xf32, #tpu.memory_space<vmem>> -> memref<1x1664x16xf32, #tpu.memory_space<vmem>>
      %dma_wait3A_206 = tpu.memref_squeeze %dma_wait3A_205 : memref<1x1664x16xf32, #tpu.memory_space<vmem>> -> memref<1664x16xf32, #tpu.memory_space<vmem>>
      %dma_wait3A_207 = arith.constant 0 : i32
      %dma_wait3A_208 = tpu.memref_slice %arg6[%add3A_173, %dma_wait3A_207] : memref<425984x16xf32, #tpu.memory_space<hbm>> -> memref<1664x16xf32, #tpu.memory_space<hbm>>
      %dma_wait3A_209 = arith.constant 0 : i32
      %dma_wait3A_210 = tpu.memref_slice %arg6[%add3A_173, %dma_wait3A_209] : memref<425984x16xf32, #tpu.memory_space<hbm>> -> memref<1664x16xf32, #tpu.memory_space<hbm>>
      %dma_wait3A_211 = arith.constant 0 : i32
      %dma_wait3A_212 = arith.constant 0 : i32
      %dma_wait3A_213 = tpu.memref_slice %arg9[%run_scoped3A_174, %dma_wait3A_211, %dma_wait3A_212] : memref<2x1664x16xf32, #tpu.memory_space<vmem>> -> memref<1x1664x16xf32, #tpu.memory_space<vmem>>
      %dma_wait3A_214 = tpu.memref_squeeze %dma_wait3A_213 : memref<1x1664x16xf32, #tpu.memory_space<vmem>> -> memref<1664x16xf32, #tpu.memory_space<vmem>>
      tpu.wait_dma2 semaphore(%run_scoped3A_190 : memref<!tpu.dma_semaphore, #tpu.memory_space<semaphore_mem>>) src(%dma_wait3A_214 : memref<1664x16xf32, #tpu.memory_space<vmem>>) dst(%dma_wait3A_210 : memref<1664x16xf32, #tpu.memory_space<hbm>>)
      tpu.yield
    }) : () -> ()
    %dma_wait3A_175 = arith.constant 1 : i32
    %dma_wait3A_176 = arith.constant 0 : i32
    %dma_wait3A_177 = arith.constant 0 : i32
    %dma_wait3A_178 = tpu.memref_slice %arg9[%dma_wait3A_175, %dma_wait3A_176, %dma_wait3A_177] : memref<2x1664x16xf32, #tpu.memory_space<vmem>> -> memref<1x1664x16xf32, #tpu.memory_space<vmem>>
    %dma_wait3A_179 = tpu.memref_squeeze %dma_wait3A_178 : memref<1x1664x16xf32, #tpu.memory_space<vmem>> -> memref<1664x16xf32, #tpu.memory_space<vmem>>
    %dma_wait3A_180 = arith.constant 11648 : i32
    %dma_wait3A_181 = tpu.memref_slice %arg8[%dma_wait3A_180] : memref<13312xi32, #tpu.memory_space<vmem>> -> memref<1664xi32, #tpu.memory_space<vmem>>
    %dma_wait3A_182 = arith.constant 0 : i32
    %dma_wait3A_183 = arith.constant 0 : i32
    %dma_wait3A_184 = tpu.memref_slice %arg4[%dma_wait3A_182, %dma_wait3A_183] : memref<3407872x16xf32, #tpu.memory_space<hbm>> -> memref<3407872x16xf32, #tpu.memory_space<hbm>>
    tpu.wait_indirect_dma semaphore(%arg13 : memref<!tpu.dma_semaphore, #tpu.memory_space<semaphore_mem>>) src(%dma_wait3A_184 : memref<3407872x16xf32, #tpu.memory_space<hbm>>) dst(%dma_wait3A_179 : memref<1664x16xf32, #tpu.memory_space<vmem>>)
    %add3A_185 = arith.constant 11648 : i32
    %add3A_186 = arith.addi %mul3A_2, %add3A_185 : i32
    %run_scoped3A_187 = arith.constant 1 : i32
    "tpu.region"() ({
      %run_scoped3A_190 = tpu.sem_alloc : memref<!tpu.dma_semaphore, #tpu.memory_space<semaphore_mem>>
      %dma_start3A_191 = arith.constant 0 : i32
      %dma_start3A_192 = arith.constant 0 : i32
      %dma_start3A_193 = tpu.memref_slice %arg9[%run_scoped3A_187, %dma_start3A_191, %dma_start3A_192] : memref<2x1664x16xf32, #tpu.memory_space<vmem>> -> memref<1x1664x16xf32, #tpu.memory_space<vmem>>
      %dma_start3A_194 = tpu.memref_squeeze %dma_start3A_193 : memref<1x1664x16xf32, #tpu.memory_space<vmem>> -> memref<1664x16xf32, #tpu.memory_space<vmem>>
      %dma_start3A_195 = arith.constant 0 : i32
      %dma_start3A_196 = tpu.memref_slice %arg6[%add3A_186, %dma_start3A_195] : memref<425984x16xf32, #tpu.memory_space<hbm>> -> memref<1664x16xf32, #tpu.memory_space<hbm>>
      %dma_start3A_197 = arith.constant 0 : i32
      %dma_start3A_198 = tpu.memref_slice %arg6[%add3A_186, %dma_start3A_197] : memref<425984x16xf32, #tpu.memory_space<hbm>> -> memref<1664x16xf32, #tpu.memory_space<hbm>>
      %dma_start3A_199 = arith.constant 0 : i32
      %dma_start3A_200 = arith.constant 0 : i32
      %dma_start3A_201 = tpu.memref_slice %arg9[%run_scoped3A_187, %dma_start3A_199, %dma_start3A_200] : memref<2x1664x16xf32, #tpu.memory_space<vmem>> -> memref<1x1664x16xf32, #tpu.memory_space<vmem>>
      %dma_start3A_202 = tpu.memref_squeeze %dma_start3A_201 : memref<1x1664x16xf32, #tpu.memory_space<vmem>> -> memref<1664x16xf32, #tpu.memory_space<vmem>>
      tpu.enqueue_dma source(%dma_start3A_202 : memref<1664x16xf32, #tpu.memory_space<vmem>>) target(%dma_start3A_198 : memref<1664x16xf32, #tpu.memory_space<hbm>>) target_semaphore(%run_scoped3A_190 : memref<!tpu.dma_semaphore, #tpu.memory_space<semaphore_mem>>)
      %dma_wait3A_203 = arith.constant 0 : i32
      %dma_wait3A_204 = arith.constant 0 : i32
      %dma_wait3A_205 = tpu.memref_slice %arg9[%run_scoped3A_187, %dma_wait3A_203, %dma_wait3A_204] : memref<2x1664x16xf32, #tpu.memory_space<vmem>> -> memref<1x1664x16xf32, #tpu.memory_space<vmem>>
      %dma_wait3A_206 = tpu.memref_squeeze %dma_wait3A_205 : memref<1x1664x16xf32, #tpu.memory_space<vmem>> -> memref<1664x16xf32, #tpu.memory_space<vmem>>
      %dma_wait3A_207 = arith.constant 0 : i32
      %dma_wait3A_208 = tpu.memref_slice %arg6[%add3A_186, %dma_wait3A_207] : memref<425984x16xf32, #tpu.memory_space<hbm>> -> memref<1664x16xf32, #tpu.memory_space<hbm>>
      %dma_wait3A_209 = arith.constant 0 : i32
      %dma_wait3A_210 = tpu.memref_slice %arg6[%add3A_186, %dma_wait3A_209] : memref<425984x16xf32, #tpu.memory_space<hbm>> -> memref<1664x16xf32, #tpu.memory_space<hbm>>
      %dma_wait3A_211 = arith.constant 0 : i32
      %dma_wait3A_212 = arith.constant 0 : i32
      %dma_wait3A_213 = tpu.memref_slice %arg9[%run_scoped3A_187, %dma_wait3A_211, %dma_wait3A_212] : memref<2x1664x16xf32, #tpu.memory_space<vmem>> -> memref<1x1664x16xf32, #tpu.memory_space<vmem>>
      %dma_wait3A_214 = tpu.memref_squeeze %dma_wait3A_213 : memref<1x1664x16xf32, #tpu.memory_space<vmem>> -> memref<1664x16xf32, #tpu.memory_space<vmem>>
      tpu.wait_dma2 semaphore(%run_scoped3A_190 : memref<!tpu.dma_semaphore, #tpu.memory_space<semaphore_mem>>) src(%dma_wait3A_214 : memref<1664x16xf32, #tpu.memory_space<vmem>>) dst(%dma_wait3A_210 : memref<1664x16xf32, #tpu.memory_space<hbm>>)
      tpu.yield
    }) : () -> ()
    %dma_wait3A_188 = arith.constant 0 : i32
    %dma_wait3A_189 = tpu.memref_slice %arg5[%dma_wait3A_188] : memref<2600000xf32, #tpu.memory_space<hbm>> -> memref<2600000xf32, #tpu.memory_space<hbm>>
    tpu.wait_indirect_dma semaphore(%arg14 : memref<!tpu.dma_semaphore, #tpu.memory_space<semaphore_mem>>) src(%dma_wait3A_189 : memref<2600000xf32, #tpu.memory_space<hbm>>) dst(%arg11 : memref<13312xf32, #tpu.memory_space<vmem>>)
    "tpu.region"() ({
      %run_scoped3A_190 = tpu.sem_alloc : memref<!tpu.dma_semaphore, #tpu.memory_space<semaphore_mem>>
      %dma_start3A_191 = tpu.memref_slice %arg7[%mul3A_4] : memref<425984xf32, #tpu.memory_space<hbm>> -> memref<13312xf32, #tpu.memory_space<hbm>>
      %dma_start3A_192 = tpu.memref_slice %arg7[%mul3A_4] : memref<425984xf32, #tpu.memory_space<hbm>> -> memref<13312xf32, #tpu.memory_space<hbm>>
      tpu.enqueue_dma source(%arg11 : memref<13312xf32, #tpu.memory_space<vmem>>) target(%dma_start3A_192 : memref<13312xf32, #tpu.memory_space<hbm>>) target_semaphore(%run_scoped3A_190 : memref<!tpu.dma_semaphore, #tpu.memory_space<semaphore_mem>>)
      %dma_wait3A_193 = tpu.memref_slice %arg7[%mul3A_4] : memref<425984xf32, #tpu.memory_space<hbm>> -> memref<13312xf32, #tpu.memory_space<hbm>>
      %dma_wait3A_194 = tpu.memref_slice %arg7[%mul3A_4] : memref<425984xf32, #tpu.memory_space<hbm>> -> memref<13312xf32, #tpu.memory_space<hbm>>
      tpu.wait_dma2 semaphore(%run_scoped3A_190 : memref<!tpu.dma_semaphore, #tpu.memory_space<semaphore_mem>>) src(%arg11 : memref<13312xf32, #tpu.memory_space<vmem>>) dst(%dma_wait3A_194 : memref<13312xf32, #tpu.memory_space<hbm>>)
      tpu.yield
    }) : () -> ()
    return
  }
}

module attributes {stable_mosaic.version = 14 : i64} {
  func.func @_flatten_body(%arg0: i32, %arg1: i32, %arg2: memref<128x8192xf32, #tpu.memory_space<vmem>>, %arg3: memref<8192x128xf32, #tpu.memory_space<vmem>>) attributes {dimension_semantics = [#tpu.dimension_semantics<arbitrary>, #tpu.dimension_semantics<arbitrary>], iteration_bounds = array<i64: 4, 13>, scalar_prefetch = 0 : i64, scratch_operands = 0 : i64, tpu.core_type = #tpu.core_type<tc>, window_params = [{transform_indices = @transform_0, window_bounds = array<i64: 128, 8192>}, {transform_indices = @transform_1, window_bounds = array<i64: 8192, 128>}]} {
    %get3A = arith.constant 0 : index
    %get3A_0 = arith.constant 0 : index
    %get3A_1 = vector.load %arg2[%get3A, %get3A_0] : memref<128x8192xf32, #tpu.memory_space<vmem>>, vector<128x8192xf32>
    %transpose3A = tpu.transpose %get3A_1, [1, 0] : vector<128x8192xf32> -> vector<8192x128xf32>
    %swap3A = arith.constant 0 : index
    %swap3A_2 = arith.constant 0 : index
    %swap3A_3 = vector.load %arg3[%swap3A, %swap3A_2] : memref<8192x128xf32, #tpu.memory_space<vmem>>, vector<8192x128xf32>
    tpu.vector_store %arg3[%swap3A, %swap3A_2], %transpose3A {strides = array<i32>} : memref<8192x128xf32, #tpu.memory_space<vmem>>, vector<8192x128xf32>,
    return
  }
  func.func @transform_0(%arg0: i32, %arg1: i32) -> (i32, i32) {
    %c0_i32 = arith.constant 0 : i32
    return %arg0, %arg1 : i32, i32
  }
  func.func @transform_1(%arg0: i32, %arg1: i32) -> (i32, i32) {
    %mul3A = arith.constant 13 : i32
    %mul3A_0 = arith.muli %arg0, %mul3A : i32
    %add3A = arith.addi %mul3A_0, %arg1 : i32
    %c0_i32 = arith.constant 0 : i32
    %c0_i32_1 = arith.constant 0 : i32
    return %add3A, %c0_i32 : i32, i32
  }
}

module attributes {stable_mosaic.version = 14 : i64} {
  func.func @_mlp_body(%arg0: i32, %arg1: memref<1024x416xf32, #tpu.memory_space<vmem>>, %arg2: memref<1024x26xf32, #tpu.memory_space<vmem>>, %arg3: memref<1x1xf32, #tpu.memory_space<vmem>>, %arg4: memref<416x256xf32, #tpu.memory_space<vmem>>, %arg5: memref<1x256xf32, #tpu.memory_space<vmem>>, %arg6: memref<256x128xf32, #tpu.memory_space<vmem>>, %arg7: memref<1x128xf32, #tpu.memory_space<vmem>>, %arg8: memref<128x64xf32, #tpu.memory_space<vmem>>, %arg9: memref<1x64xf32, #tpu.memory_space<vmem>>, %arg10: memref<64x1xf32, #tpu.memory_space<vmem>>, %arg11: memref<1x1xf32, #tpu.memory_space<vmem>>, %arg12: memref<1024x1xf32, #tpu.memory_space<vmem>>) attributes {dimension_semantics = [#tpu.dimension_semantics<arbitrary>], iteration_bounds = array<i64: 16>, scalar_prefetch = 0 : i64, scratch_operands = 0 : i64, tpu.core_type = #tpu.core_type<tc>, window_params = [{transform_indices = @transform_0, window_bounds = array<i64: 1024, 416>}, {transform_indices = @transform_1, window_bounds = array<i64: 1024, 26>}, {pipeline_mode = #tpu.pipeline_mode<synchronous>, transform_indices = @transform_2, window_bounds = array<i64: 1, 1>}, {pipeline_mode = #tpu.pipeline_mode<synchronous>, transform_indices = @transform_3, window_bounds = array<i64: 416, 256>}, {pipeline_mode = #tpu.pipeline_mode<synchronous>, transform_indices = @transform_4, window_bounds = array<i64: 1, 256>}, {pipeline_mode = #tpu.pipeline_mode<synchronous>, transform_indices = @transform_5, window_bounds = array<i64: 256, 128>}, {pipeline_mode = #tpu.pipeline_mode<synchronous>, transform_indices = @transform_6, window_bounds = array<i64: 1, 128>}, {pipeline_mode = #tpu.pipeline_mode<synchronous>, transform_indices = @transform_7, window_bounds = array<i64: 128, 64>}, {pipeline_mode = #tpu.pipeline_mode<synchronous>, transform_indices = @transform_8, window_bounds = array<i64: 1, 64>}, {pipeline_mode = #tpu.pipeline_mode<synchronous>, transform_indices = @transform_9, window_bounds = array<i64: 64, 1>}, {pipeline_mode = #tpu.pipeline_mode<synchronous>, transform_indices = @transform_10, window_bounds = array<i64: 1, 1>}, {transform_indices = @transform_11, window_bounds = array<i64: 1024, 1>}]} {
    %get3A = arith.constant 0 : index
    %get3A_0 = arith.constant 0 : index
    %get3A_1 = vector.load %arg1[%get3A, %get3A_0] : memref<1024x416xf32, #tpu.memory_space<vmem>>, vector<1024x416xf32>
    %get3A_2 = arith.constant 0 : index
    %get3A_3 = arith.constant 0 : index
    %get3A_4 = vector.load %arg4[%get3A_2, %get3A_3] : memref<416x256xf32, #tpu.memory_space<vmem>>, vector<416x256xf32>
    %dot_general3A = arith.constant dense<0.000000e+00> : vector<1024x256xf32>
    %dot_general3A_5 = tpu.matmul %get3A_1, %get3A_4, %dot_general3A {dimension_numbers = #tpu.dot_dimension_numbers<[1], [0], [0], [1], [0, 0, 1, 1], [], []>, transpose_lhs_hint = false} : vector<1024x416xf32>, vector<416x256xf32>, vector<1024x256xf32> -> vector<1024x256xf32>
    %get3A_6 = arith.constant 0 : index
    %get3A_7 = arith.constant 0 : index
    %get3A_8 = vector.load %arg5[%get3A_6, %get3A_7] : memref<1x256xf32, #tpu.memory_space<vmem>>, vector<1x256xf32>
    %add3A = vector.broadcast %get3A_8 : vector<1x256xf32> to vector<1024x256xf32>
    %add3A_9 = arith.addf %dot_general3A_5, %add3A : vector<1024x256xf32>
    %max3A = arith.constant 0.000000e+00 : f32
    %max3A_10 = vector.broadcast %max3A : f32 to vector<1024x256xf32>
    %max3A_11 = arith.maximumf %add3A_9, %max3A_10 : vector<1024x256xf32>
    %get3A_12 = arith.constant 0 : index
    %get3A_13 = arith.constant 0 : index
    %get3A_14 = vector.load %arg6[%get3A_12, %get3A_13] : memref<256x128xf32, #tpu.memory_space<vmem>>, vector<256x128xf32>
    %dot_general3A_15 = arith.constant dense<0.000000e+00> : vector<1024x128xf32>
    %dot_general3A_16 = tpu.matmul %max3A_11, %get3A_14, %dot_general3A_15 {dimension_numbers = #tpu.dot_dimension_numbers<[1], [0], [0], [1], [0, 0, 1, 1], [], []>, transpose_lhs_hint = false} : vector<1024x256xf32>, vector<256x128xf32>, vector<1024x128xf32> -> vector<1024x128xf32>
    %get3A_17 = arith.constant 0 : index
    %get3A_18 = arith.constant 0 : index
    %get3A_19 = vector.load %arg7[%get3A_17, %get3A_18] : memref<1x128xf32, #tpu.memory_space<vmem>>, vector<1x128xf32>
    %add3A_20 = vector.broadcast %get3A_19 : vector<1x128xf32> to vector<1024x128xf32>
    %add3A_21 = arith.addf %dot_general3A_16, %add3A_20 : vector<1024x128xf32>
    %max3A_22 = arith.constant 0.000000e+00 : f32
    %max3A_23 = vector.broadcast %max3A_22 : f32 to vector<1024x128xf32>
    %max3A_24 = arith.maximumf %add3A_21, %max3A_23 : vector<1024x128xf32>
    %get3A_25 = arith.constant 0 : index
    %get3A_26 = arith.constant 0 : index
    %get3A_27 = vector.load %arg8[%get3A_25, %get3A_26] : memref<128x64xf32, #tpu.memory_space<vmem>>, vector<128x64xf32>
    %dot_general3A_28 = arith.constant dense<0.000000e+00> : vector<1024x64xf32>
    %dot_general3A_29 = tpu.matmul %max3A_24, %get3A_27, %dot_general3A_28 {dimension_numbers = #tpu.dot_dimension_numbers<[1], [0], [0], [1], [0, 0, 1, 1], [], []>, transpose_lhs_hint = false} : vector<1024x128xf32>, vector<128x64xf32>, vector<1024x64xf32> -> vector<1024x64xf32>
    %get3A_30 = arith.constant 0 : index
    %get3A_31 = arith.constant 0 : index
    %get3A_32 = vector.load %arg9[%get3A_30, %get3A_31] : memref<1x64xf32, #tpu.memory_space<vmem>>, vector<1x64xf32>
    %add3A_33 = vector.broadcast %get3A_32 : vector<1x64xf32> to vector<1024x64xf32>
    %add3A_34 = arith.addf %dot_general3A_29, %add3A_33 : vector<1024x64xf32>
    %max3A_35 = arith.constant 0.000000e+00 : f32
    %max3A_36 = vector.broadcast %max3A_35 : f32 to vector<1024x64xf32>
    %max3A_37 = arith.maximumf %add3A_34, %max3A_36 : vector<1024x64xf32>
    %get3A_38 = arith.constant 0 : index
    %get3A_39 = arith.constant 0 : index
    %get3A_40 = vector.load %arg10[%get3A_38, %get3A_39] : memref<64x1xf32, #tpu.memory_space<vmem>>, vector<64x1xf32>
    %dot_general3A_41 = arith.constant dense<0.000000e+00> : vector<1024x1xf32>
    %dot_general3A_42 = tpu.matmul %max3A_37, %get3A_40, %dot_general3A_41 {dimension_numbers = #tpu.dot_dimension_numbers<[1], [0], [0], [1], [0, 0, 1, 1], [], []>, transpose_lhs_hint = false} : vector<1024x64xf32>, vector<64x1xf32>, vector<1024x1xf32> -> vector<1024x1xf32>
    %get3A_43 = arith.constant 0 : index
    %get3A_44 = arith.constant 0 : index
    %get3A_45 = vector.load %arg11[%get3A_43, %get3A_44] : memref<1x1xf32, #tpu.memory_space<vmem>>, vector<1x1xf32>
    %add3A_46 = vector.broadcast %get3A_45 : vector<1x1xf32> to vector<1024x1xf32>
    %add3A_47 = arith.addf %dot_general3A_42, %add3A_46 : vector<1024x1xf32>
    %get3A_48 = arith.constant 0 : index
    %get3A_49 = arith.constant 0 : index
    %get3A_50 = vector.load %arg2[%get3A_48, %get3A_49] : memref<1024x26xf32, #tpu.memory_space<vmem>>, vector<1024x26xf32>
    %reduce_sum3A = arith.constant dense<0.000000e+00> : vector<1024xf32>
    %reduce_sum3A_51 = vector.multi_reduction <add>, %get3A_50, %reduce_sum3A [1] : vector<1024x26xf32> to vector<1024xf32>
    %broadcast_in_dim3A = vector.shape_cast %reduce_sum3A_51 : vector<1024xf32> to vector<1024x1xf32>
    %get3A_52 = arith.constant 0 : index
    %get3A_53 = arith.constant 0 : index
    %get3A_54 = vector.load %arg3[%get3A_52, %get3A_53] : memref<1x1xf32, #tpu.memory_space<vmem>>, vector<1x1xf32>
    %add3A_55 = vector.broadcast %get3A_54 : vector<1x1xf32> to vector<1024x1xf32>
    %add3A_56 = arith.addf %broadcast_in_dim3A, %add3A_55 : vector<1024x1xf32>
    %add3A_57 = arith.addf %add3A_47, %add3A_56 : vector<1024x1xf32>
    %logistic3A = arith.negf %add3A_57 : vector<1024x1xf32>
    %logistic3A_58 = math.exp %logistic3A : vector<1024x1xf32>
    %logistic3A_59 = arith.constant 1.000000e+00 : f32
    %logistic3A_60 = vector.broadcast %logistic3A_59 : f32 to vector<1024x1xf32>
    %logistic3A_61 = arith.addf %logistic3A_60, %logistic3A_58 : vector<1024x1xf32>
    %logistic3A_62 = arith.divf %logistic3A_60, %logistic3A_61 : vector<1024x1xf32>
    %swap3A = arith.constant 0 : index
    %swap3A_63 = arith.constant 0 : index
    %swap3A_64 = vector.load %arg12[%swap3A, %swap3A_63] : memref<1024x1xf32, #tpu.memory_space<vmem>>, vector<1024x1xf32>
    tpu.vector_store %arg12[%swap3A, %swap3A_63], %logistic3A_62 {strides = array<i32>} : memref<1024x1xf32, #tpu.memory_space<vmem>>, vector<1024x1xf32>,
    return
  }
  func.func @transform_0(%arg0: i32) -> (i32, i32) {
    %c0_i32 = arith.constant 0 : i32
    %c0_i32_0 = arith.constant 0 : i32
    return %arg0, %c0_i32 : i32, i32
  }
  func.func @transform_1(%arg0: i32) -> (i32, i32) {
    %c0_i32 = arith.constant 0 : i32
    %c0_i32_0 = arith.constant 0 : i32
    return %arg0, %c0_i32 : i32, i32
  }
  func.func @transform_2(%arg0: i32) -> (i32, i32) {
    %c0_i32 = arith.constant 0 : i32
    %c0_i32_0 = arith.constant 0 : i32
    %c0_i32_1 = arith.constant 0 : i32
    return %c0_i32, %c0_i32_0 : i32, i32
  }
  func.func @transform_3(%arg0: i32) -> (i32, i32) {
    %c0_i32 = arith.constant 0 : i32
    %c0_i32_0 = arith.constant 0 : i32
    %c0_i32_1 = arith.constant 0 : i32
    return %c0_i32, %c0_i32_0 : i32, i32
  }
  func.func @transform_4(%arg0: i32) -> (i32, i32) {
    %c0_i32 = arith.constant 0 : i32
    %c0_i32_0 = arith.constant 0 : i32
    %c0_i32_1 = arith.constant 0 : i32
    return %c0_i32, %c0_i32_0 : i32, i32
  }
  func.func @transform_5(%arg0: i32) -> (i32, i32) {
    %c0_i32 = arith.constant 0 : i32
    %c0_i32_0 = arith.constant 0 : i32
    %c0_i32_1 = arith.constant 0 : i32
    return %c0_i32, %c0_i32_0 : i32, i32
  }
  func.func @transform_6(%arg0: i32) -> (i32, i32) {
    %c0_i32 = arith.constant 0 : i32
    %c0_i32_0 = arith.constant 0 : i32
    %c0_i32_1 = arith.constant 0 : i32
    return %c0_i32, %c0_i32_0 : i32, i32
  }
  func.func @transform_7(%arg0: i32) -> (i32, i32) {
    %c0_i32 = arith.constant 0 : i32
    %c0_i32_0 = arith.constant 0 : i32
    %c0_i32_1 = arith.constant 0 : i32
    return %c0_i32, %c0_i32_0 : i32, i32
  }
  func.func @transform_8(%arg0: i32) -> (i32, i32) {
    %c0_i32 = arith.constant 0 : i32
    %c0_i32_0 = arith.constant 0 : i32
    %c0_i32_1 = arith.constant 0 : i32
    return %c0_i32, %c0_i32_0 : i32, i32
  }
  func.func @transform_9(%arg0: i32) -> (i32, i32) {
    %c0_i32 = arith.constant 0 : i32
    %c0_i32_0 = arith.constant 0 : i32
    %c0_i32_1 = arith.constant 0 : i32
    return %c0_i32, %c0_i32_0 : i32, i32
  }
  func.func @transform_10(%arg0: i32) -> (i32, i32) {
    %c0_i32 = arith.constant 0 : i32
    %c0_i32_0 = arith.constant 0 : i32
    %c0_i32_1 = arith.constant 0 : i32
    return %c0_i32, %c0_i32_0 : i32, i32
  }
  func.func @transform_11(%arg0: i32) -> (i32, i32) {
    %c0_i32 = arith.constant 0 : i32
    %c0_i32_0 = arith.constant 0 : i32
    return %arg0, %c0_i32 : i32, i32
  }
}

</mosaic_0001>

<sc_bundles>
// kernel: kernel.5.cloned.1.call-start
scs
__scs_entry_jumppad:
0x0: {  	(pc) =	sbr.rel $0x88, $3  }
0x1: {  	(tag) =	ssettag $0x0;
	lr =	simm.s32 $0x1  }
0x2: {  	[smem:$0x3F95] =	sst lr;
	_ =	strace $0xD0000000  }
0x3: {  	_ = 	snop  }
0x4: {  	_ = 	snop  }
0x5: {  	_ = 	snop  }
0x6: {  	_ = 	snop  }
0x7: {  	_ = 	snop  }
__scs_overlays_trampoline_lowered:
0x8: {  	[smem:$0x3FA4] =	sst s0  }
0x9: {  	[smem:$0x3FA5] =	sst s1  }
0xa: {  	[smem:$0x3FA6] =	sst s2  }
0xb: {  	[smem:$0x3FA7] =	sst s3  }
0xc: {  	[smem:$0x3FA8] =	sst s4  }
0xd: {  	[smem:$0x3FA9] =	sst s5  }
0xe: {  	[smem:$0x3FAA] =	sst s6  }
0xf: {  	[smem:$0x3FAB] =	sst s7  }
0x10: {  	[smem:$0x3FAC] =	sst s8  }
0x11: {  	[smem:$0x3FAD] =	sst s9;
	s0 =	simm.s32 @!p0 $0x0  }
0x12: {  	s1 =	sld [smem:$0x3F93];
	s0 =	simm.s32 @p0 $0x1  }
0x13: {  	[smem:$0x3FAE] =	sst s0;
	s0 =	simm.s32 @!p1 $0x0  }
0x14: {  	s2 =	sld [smem:$0x3F92];
	s0 =	simm.s32 @p1 $0x1  }
0x15: {  	[smem:$0x3FAF] =	sst s0;
	s0 =	simm.s32 @!p2 $0x0  }
0x16: {  	s3 =	sld [smem:$0x3FDB];
	s0 =	simm.s32 @p2 $0x1  }
0x17: {  	s4 =	simm.s32 $0x1BF5;
	[smem:$0x3FB1] =	sst s0  }
0x18: {  	s0 =	sld [smem:$0x3F94];
	_ =	swait.ge [sflag:s4], $0x0  }
0x19: {  	s7 =	sld [smem:$0x3F95]  }
0x1a: {  	s8 =	sadd.s32 $0xFFFFE003, lr  }
0x1b: {  	s9 =	sadd.s32 $0xFFFFFEF7, lr;
	s5 =	simm.s32 $0xFFFFFFFF;
	p2 =	slt.u32 s8, $0xFFFFF086  }
0x1c: {  	p1 =	slt.u32 s9, $0xF7A;
	s5 =	simm.s32 @!p2 $0x0  }
0x1d: {  	s5 =	simm.s32 @p1 $0x1;
	p0 =	seq.s32 s7, s2  }
0x1e: {  	s7 =	smul.u32 @!p0 $0xF7A, s2;
	p2 =	seq.s32 @!p0 s5, $0x0  }
0x1f: {  	s9 =	smul.u32 $0xF7A, s1;
	s8 =	simm.s32 @!p0 $0x1BF5;
	p2 =	por !p2, p0  }
0x20: {  	[sflag:s8] =	ssyncset.s32 @!p0 $0xFFFFF086;
	s6 =	sadd.s32 @!p0 s3, s7;
	s7 =	simm.s32 @!p0 $0x108  }
0x21: {  	s3 =	sadd.s32 s3, s9;
	s6 =	sadd.s32 @!p0 $0x88, s6;
	s7 =	simm.s32 @p2 $0x1082  }
0x22: {  	[simem:s7], [sflag:s8] =	dma.local @!p0 [hbm:s6], $0xF7A  }
0x23: {  	s9 =	sor.u32 $0xD0000000, s2;
	s6 =	simm.s32 $0x108;
	_ =	swait.ge @!p0 [sflag:s8], $0x0  }
0x24: {  	s3 =	sadd.s32 $0x88, s3;
	s6 =	simm.s32 @!p1 $0x1082;
	[sflag:s4] =	ssyncset.s32 $0xFFFFF086  }
0x25: {  	[simem:s6], [sflag:s4] =	dma.local [hbm:s3], $0xF7A  }
0x26: {  	[smem:$0x3F95] =	sst s1;
	(tag) =	ssettag s2;
	_ =	strace s9  }
0x27: {  	s1 =	sld [smem:$0x3FA5]  }
0x28: {  	s2 =	sld [smem:$0x3FA6]  }
0x29: {  	s4 =	sld [smem:$0x3FA8]  }
0x2a: {  	p0 =	seq.s32 s5, $0x0;
	s5 =	sld [smem:$0x3FA9]  }
0x2b: {  	s6 =	sld [smem:$0x3FAA]  }
0x2c: {  	s7 =	sld [smem:$0x3FAB]  }
0x2d: {  	s3 =	simm.s32 $0x108;
	s8 =	sld [smem:$0x3FAC]  }
0x2e: {  	s3 =	simm.s32 @!p0 $0x1082;
	s9 =	sld [smem:$0x3FAD]  }
0x2f: {  	lr =	sadd.s32 s0, s3;
	s0 =	sld [smem:$0x3FA4]  }
0x30: {  	s3 =	sld [smem:$0x3FA7]  }
0x31: {  	[smem:$0x3FB0] =	sst s10  }
0x32: {  	s10 =	sld [smem:$0x3FAE];
	_ =	sdelay $0x3  }
0x33: {  	p0 =	seq.s32 s10, $0x1;
	s10 =	sld [smem:$0x3FB0];
	_ =	sdelay $0x3  }
0x34: {  	[smem:$0x3FB0] =	sst s10  }
0x35: {  	s10 =	sld [smem:$0x3FAF];
	_ =	sdelay $0x3  }
0x36: {  	p1 =	seq.s32 s10, $0x1;
	s10 =	sld [smem:$0x3FB0];
	_ =	sdelay $0x3  }
0x37: {  	[smem:$0x3FB0] =	sst s10  }
0x38: {  	s10 =	sld [smem:$0x3FB1]  }
0x39: {  	_ = 	snop;
	(pc) =	sbr.ind lr, $3  }
0x3a: {  	_ = 	snop  }
0x3b: {  	_ = 	snop  }
0x3c: {  	p2 =	seq.s32 s10, $0x1;
	s10 =	sld [smem:$0x3FB0]  }
0x3d: {  	_ =	shalt  }
0x3e: {  	_ =	shalt  }
0x3f: {  	_ =	shalt  }
0x40: {  	_ =	shalt  }
0x41: {  	_ =	shalt  }
0x42: {  	_ =	shalt  }
0x43: {  	_ =	shalt  }
0x44: {  	_ =	shalt  }
0x45: {  	_ =	shalt  }
0x46: {  	_ =	shalt  }
0x47: {  	_ =	shalt  }
0x48: {  	_ =	shalt  }
0x49: {  	_ =	shalt  }
0x4a: {  	_ =	shalt  }
0x4b: {  	_ =	shalt  }
0x4c: {  	_ =	shalt  }
0x4d: {  	_ =	shalt  }
0x4e: {  	_ =	shalt  }
0x4f: {  	_ =	shalt  }
0x50: {  	_ =	shalt  }
0x51: {  	_ =	shalt  }
0x52: {  	_ =	shalt  }
0x53: {  	_ =	shalt  }
0x54: {  	_ =	shalt  }
0x55: {  	_ =	shalt  }
0x56: {  	_ =	shalt  }
0x57: {  	_ =	shalt  }
0x58: {  	_ =	shalt  }
0x59: {  	_ =	shalt  }
0x5a: {  	_ =	shalt  }
0x5b: {  	_ =	shalt  }
0x5c: {  	_ =	shalt  }
0x5d: {  	_ =	shalt  }
0x5e: {  	_ =	shalt  }
0x5f: {  	_ =	shalt  }
0x60: {  	_ =	shalt  }
0x61: {  	_ =	shalt  }
0x62: {  	_ =	shalt  }
0x63: {  	_ =	shalt  }
0x64: {  	_ =	shalt  }
0x65: {  	_ =	shalt  }
0x66: {  	_ =	shalt  }
0x67: {  	_ =	shalt  }
0x68: {  	_ =	shalt  }
0x69: {  	_ =	shalt  }
0x6a: {  	_ =	shalt  }
0x6b: {  	_ =	shalt  }
0x6c: {  	_ =	shalt  }
0x6d: {  	_ =	shalt  }
0x6e: {  	_ =	shalt  }
0x6f: {  	_ =	shalt  }
0x70: {  	_ =	shalt  }
0x71: {  	_ =	shalt  }
0x72: {  	_ =	shalt  }
0x73: {  	_ =	shalt  }
0x74: {  	_ =	shalt  }
0x75: {  	_ =	shalt  }
0x76: {  	_ =	shalt  }
0x77: {  	_ =	shalt  }
0x78: {  	_ =	shalt  }
0x79: {  	_ =	shalt  }
0x7a: {  	_ =	shalt  }
0x7b: {  	_ =	shalt  }
0x7c: {  	_ =	shalt  }
0x7d: {  	_ =	shalt  }
0x7e: {  	_ =	shalt  }
0x7f: {  	_ =	shalt  }
0x80: {  	_ =	shalt  }
0x81: {  	_ =	shalt  }
0x82: {  	_ =	shalt  }
0x83: {  	_ =	shalt  }
0x84: {  	_ =	shalt  }
0x85: {  	_ =	shalt  }
0x86: {  	_ =	shalt  }
0x87: {  	_ =	shalt  }
.Lfunc_end0:
.L_simem_size_0:
called_computation_lowered:
.L_overlay_start_0:
0x88: {  	s2 =	sld [smem:$0x3FD9]  }
0x89: {  	s3 =	sld [smem:$0x3FFE];
	_ =	sdelay $0x1  }
0x8a: {  	s1 =	srdreg.scid  }
0x8b: {  	s0 =	sand.u32 $0x1, s1  }
0x8c: {  	s16 =	sshll.u32 s0, $0xA;
	s2 =	sadd.s32 s3, s2  }
0x8d: {  	s2 =	sadd.s32 s2, s16  }
0x8e: {  	[smem:$0x3FBC] =	sst s2  }
0x8f: {  	_ = 	snop  }
0x90: {  	(tm) =	ssettm $0x1  }
0x91: {  	s17 =	sld [smem:$0x3FFB];
	_ =	sdelay $0x3  }
0x92: {  	_ =	strace s17  }
0x93: {  	s2 =	sld [smem:$0x3FFC];
	_ =	sdelay $0x3  }
0x94: {  	_ =	strace s2  }
0x95: {  	s2 =	sld [smem:$0x3FFD];
	_ =	sdelay $0x3  }
0x96: {  	_ =	strace s2  }
0x97: {  	_ =	strace $0x8FFFFFFF  }
0x98: {  	s18 =	sld [smem:$0x3FDB];
	_ =	sdelay $0x1  }
0x99: {  	s19 =	simm.s32 $_scs_section_size  }
0x9a: {  	s4 =	simm.s32 $_size__tile_overlayer_lowered;
	s5 =	simm.s32 $_tile_overlayer_lowered  }
0x9b: {  	s22 =	simm.s32 $0x1BFF;
	s21 =	sshll.u32 s5, $0x1;
	s2 =	sadd.s32 s19, s18  }
0x9c: {  	s6 =	simm.s32 $0x0;
	s20 =	sshll.u32 s4, $0x1;
	s4 =	sadd.s32 s21, s2  }
0x9d: {  	[timem:s6], [sflag:s22] =	dma.local [hbm:s4], s20  }
0x9e: {  	_ =	swait.ge [sflag:s22], s20  }
0x9f: {  	s3 =	ssub.s32 $0x0, s20;
	[sflag:s22] =	ssyncset.done $0x0  }
0xa0: {  	[sflag:s22] =	ssyncadd.s32 s3;
	_ =	sdelay $0x1  }
0xa1: {  	s23 =	simm.s32 $0x1B8B  }
0xa2: {  	_ =	swait.ge [sflag:s23], $0x1  }
0xa3: {  	[sflag:s23] =	ssyncset.done $0x0  }
0xa4: {  	s25 =	simm.s32 $0x1B8E;
	s24 =	sld [smem:$0x3FFE];
	[sflag:s23] =	ssyncadd.s32 $0xFFFFFFFF  }
0xa5: {  	s26 =	simm.s32 $execute0_lowered;
	[smem:$0x3FD2] =	sst s25  }
0xa6: {  	s4 =	sshll.u32 s26, $0x1;
	_ =	strace $0x80000046;
	[dreg:$0x1] =	wrdreg $0xFFFFFFFF  }
0xa7: {  	s28 =	simm.s32 $_size_execute0_lowered;
	s2 =	sadd.s32 s2, s4;
	[dreg:$0x0] =	wrdreg $0x0  }
0xa8: {  	s4 =	sshll.u32 s28, $0x1;
	[dreg:$0x2] =	wrdreg s2  }
0xa9: {  	[dreg:$0x3] =	wrdreg s4  }
0xaa: {  	[dreg:$0x4] =	wrdreg $0xC0  }
0xab: {  	_ =	task [dreg:s6], $0x5FFFF  }
0xac: {  	[dreg:$0x1] =	wrdreg $0xFFFFFFFF  }
0xad: {  	[dreg:$0x0] =	wrdreg $0x60  }
0xae: {  	[dreg:$0x2] =	wrdreg s24  }
0xaf: {  	[dreg:$0x3] =	wrdreg $0x9  }
0xb0: {  	_ =	task.clear_ibuf [dreg:s6], $0x4FFFF;
	_ =	strace $0x90000046  }
0xb1: {  	s29 =	simm.s32 $0x9;
	_ =	strace $0x80000048  }
0xb2: {  	_ =	swait.ge [sflag:s29], $0x1  }
0xb3: {  	[sflag:s29] =	ssyncadd.s32 $0xFFFFFFFF  }
0xb4: {  	_ =	strace $0x90000048  }
0xb5: {  	_ =	sfence  }
0xb6: {  	s30 =	sld [smem:$0x0];
	_ =	sdelay $0x2  }
0xb7: {  	s31 =	sshll.u32 s1, $0xD;
	s1 =	sshrl.u32 s1, $0x2  }
0xb8: {  	s3 =	sand.u32 $0x4000, s31;
	s1 =	sadd.s32 s1, s30  }
0xb9: {  	s0 =	sor.u32 s3, s0;
	s1 =	sshll.u32 s1, $0x11  }
0xba: {  	s0 =	sor.u32 s1, s0  }
0xbb: {  	s0 =	sadd.s32 $0x8F2B, s0  }
0xbc: {  	[sflag:s0] =	ssyncadd.remote.s32 $0x1  }
0xbd: {  	_ =	sfence.sel $0xFFFF  }
0xbe: {  	[dreg:$0x0] =	wrdreg $0xFFFFFFFF;
	(pc) =	sbr.abs _section_cstart, $3  }
0xbf: {  	[dreg:$0x1] =	wrdreg $0xFFFFFFFF  }
0xc0: {  	_ =	task.clear_ibuf [dreg:s6], $0x2FFFF;
	_ =	strace $0x9FFFFFFF  }
0xc1: {  	(tm) =	ssettm $0x7FFFFFFF  }
tec
execute0_lowered:
.L_overlay_start_1:
0x0: {  	(tag) =	ssettag $0x1  }
0x1: {  	s1 =	srdreg.scid;
	s0 =	stileid.u32  }
0x2: {  	s29 =	sand.u32 $0x1, s1;
	s26 =	sshll.u32 s0, $0x1  }
0x3: {  	s14 =	sor.u32 s29, s26  }
0x4: {  	s13 =	rddreg [dreg:$0x0];
	s2 =	simm.s32 $0x0;
	s3 =	smul.u32 $0x680, s14  }
0x5: {  	[smem:$0x7FF] =	sst s2  }
0x6: {  	s4 =	sadd.s32 $0x69C800, s13;
	_ =	strace $0x80000047;
	s30 =	sadd.s32 s3, s13  }
0x7: {  	[dreg:$0x2] =	wrdreg s4;
	s3 =	simm.s32 $0x4;
	s4 =	sadd.s32 $0xF800, s30  }
0x8: {  	[tilespmem:s2], [sflag:$0x4] =	stream.linear.gather [hbm4b:s4+s2], $0x3400, $0x38;
	[tilespmem:$0x16C00] =	vst v63  }
0x9: {  	_ =	swait.ge [sflag:s3], $0x3400  }
0xa: {  	[sflag:s3] =	ssyncset.done $0x0  }
0xb: {  	s6 =	simm.s32 $0x10400;
	s5 =	sadd.s32 $0x2800, s30;
	[sflag:s3] =	ssyncadd.s32 $0xFFFFCC00  }
0xc: {  	[tilespmem:s6], [sflag:$0x4] =	stream.linear.gather [hbm4b:s5+s2], $0x3400, $0x38;
	[tilespmem:$0x16C00] =	vst v63  }
0xd: {  	_ =	swait.ge [sflag:s3], $0x3400  }
0xe: {  	s7 =	simm.s32 $0x3400;
	[sflag:s3] =	ssyncset.done $0x0  }
0xf: {  	s8 =	simm.s32 $0x13800;
	s9 =	rddreg [dreg:$0x2];
	[sflag:s3] =	ssyncadd.s32 $0xFFFFCC00  }
0x10: {  	[tilespmem:s8], [sflag:$0x3] =	stream.indirect.gather [hbm4b:s9+s7], $0x1, s6, s7, $0xb8;
	[tilespmem:$0x16C00] =	vst v63  }
0x11: {  	s10 =	simm.s32 $0x680;
	s9 =	sadd.s32 $0x1C800, s13  }
0x12: {  	[tilespmem:s7], [sflag:$0x1] =	stream.indirect.gather [hbm4b:s9+s10], $0x10, s2, s10, $0xb8;
	[tilespmem:$0x16C00] =	vst v63  }
0x13: {  	s11 =	simm.s32 $0x9C00;
	s12 =	simm.s32 $0x1  }
0x14: {  	[tilespmem:s11], [sflag:$0x2] =	stream.indirect.gather [hbm4b:s9+s10], $0x10, s10, s10, $0xb8;
	[tilespmem:$0x16C00] =	vst v63  }
0x15: {  	s15 =	smul.u32 $0x6800, s14;
	_ =	swait.ge [sflag:s12], $0x6800  }
0x16: {  	s16 =	sadd.s32 $0x6EBE00, s13;
	[sflag:s12] =	ssyncset.done $0x0  }
0x17: {  	s13 =	sadd.s32 s16, s15;
	[sflag:s12] =	ssyncadd.s32 $0xFFFF9800  }
0x18: {  	[hbm4b:s13+s2] =	stream.linear.scatter [tilespmem:s7], [sflag:$0x4], $0x6800, $0x38;
	[tilespmem:$0x16C00] =	vst v63  }
0x19: {  	_ =	swait.ge [sflag:s3], $0x6800  }
0x1a: {  	s17 =	smul.u32 $0x34000, s14;
	[sflag:s3] =	ssyncset.done $0x0  }
0x1b: {  	s14 =	simm.s32 $0xD00;
	s15 =	simm.s32 $0x2;
	[sflag:s3] =	ssyncadd.s32 $0xFFFF9800  }
0x1c: {  	[tilespmem:s7], [sflag:$0x1] =	stream.indirect.gather [hbm4b:s9+s10], $0x10, s14, s10, $0xb8;
	[tilespmem:$0x16C00] =	vst v63  }
0x1d: {  	s17 =	sshrl.u32 s17, $0x3;
	_ =	swait.ge [sflag:s15], $0x6800  }
0x1e: {  	s28 =	sadd.s32 s16, s17;
	[sflag:s15] =	ssyncset.done $0x0  }
0x1f: {  	s16 =	sadd.s32 $0xD00, s28;
	[sflag:s15] =	ssyncadd.s32 $0xFFFF9800  }
0x20: {  	[hbm4b:s16+s2] =	stream.linear.scatter [tilespmem:s11], [sflag:$0x4], $0x6800, $0x38;
	[tilespmem:$0x16C00] =	vst v63  }
0x21: {  	_ =	swait.ge [sflag:s3], $0x6800  }
0x22: {  	[sflag:s3] =	ssyncset.done $0x0  }
0x23: {  	s17 =	simm.s32 $0x1380;
	[sflag:s3] =	ssyncadd.s32 $0xFFFF9800  }
0x24: {  	[tilespmem:s11], [sflag:$0x2] =	stream.indirect.gather [hbm4b:s9+s10], $0x10, s17, s10, $0xb8;
	[tilespmem:$0x16C00] =	vst v63  }
0x25: {  	_ =	swait.ge [sflag:s12], $0x6800  }
0x26: {  	[sflag:s12] =	ssyncset.done $0x0  }
0x27: {  	s18 =	sadd.s32 $0x1A00, s28;
	[sflag:s12] =	ssyncadd.s32 $0xFFFF9800  }
0x28: {  	[hbm4b:s18+s2] =	stream.linear.scatter [tilespmem:s7], [sflag:$0x4], $0x6800, $0x38;
	[tilespmem:$0x16C00] =	vst v63  }
0x29: {  	_ =	swait.ge [sflag:s3], $0x6800  }
0x2a: {  	[sflag:s3] =	ssyncset.done $0x0  }
0x2b: {  	s19 =	simm.s32 $0x1A00;
	[sflag:s3] =	ssyncadd.s32 $0xFFFF9800  }
0x2c: {  	[tilespmem:s7], [sflag:$0x1] =	stream.indirect.gather [hbm4b:s9+s10], $0x10, s19, s10, $0xb8;
	[tilespmem:$0x16C00] =	vst v63  }
0x2d: {  	_ =	swait.ge [sflag:s15], $0x6800  }
0x2e: {  	[sflag:s15] =	ssyncset.done $0x0  }
0x2f: {  	s20 =	sadd.s32 $0x2700, s28;
	[sflag:s15] =	ssyncadd.s32 $0xFFFF9800  }
0x30: {  	[hbm4b:s20+s2] =	stream.linear.scatter [tilespmem:s11], [sflag:$0x4], $0x6800, $0x38;
	[tilespmem:$0x16C00] =	vst v63  }
0x31: {  	_ =	swait.ge [sflag:s3], $0x6800  }
0x32: {  	[sflag:s3] =	ssyncset.done $0x0  }
0x33: {  	s21 =	simm.s32 $0x2080;
	[sflag:s3] =	ssyncadd.s32 $0xFFFF9800  }
0x34: {  	[tilespmem:s11], [sflag:$0x2] =	stream.indirect.gather [hbm4b:s9+s10], $0x10, s21, s10, $0xb8;
	[tilespmem:$0x16C00] =	vst v63  }
0x35: {  	_ =	swait.ge [sflag:s12], $0x6800  }
0x36: {  	[sflag:s12] =	ssyncset.done $0x0  }
0x37: {  	s22 =	sadd.s32 $0x3400, s28;
	[sflag:s12] =	ssyncadd.s32 $0xFFFF9800  }
0x38: {  	[hbm4b:s22+s2] =	stream.linear.scatter [tilespmem:s7], [sflag:$0x4], $0x6800, $0x38;
	[tilespmem:$0x16C00] =	vst v63  }
0x39: {  	_ =	swait.ge [sflag:s3], $0x6800  }
0x3a: {  	[sflag:s3] =	ssyncset.done $0x0  }
0x3b: {  	s23 =	simm.s32 $0x2700;
	[sflag:s3] =	ssyncadd.s32 $0xFFFF9800  }
0x3c: {  	[tilespmem:s7], [sflag:$0x1] =	stream.indirect.gather [hbm4b:s9+s10], $0x10, s23, s10, $0xb8;
	[tilespmem:$0x16C00] =	vst v63  }
0x3d: {  	_ =	swait.ge [sflag:s15], $0x6800  }
0x3e: {  	[sflag:s15] =	ssyncset.done $0x0  }
0x3f: {  	s24 =	sadd.s32 $0x4100, s28;
	[sflag:s15] =	ssyncadd.s32 $0xFFFF9800  }
0x40: {  	[hbm4b:s24+s2] =	stream.linear.scatter [tilespmem:s11], [sflag:$0x4], $0x6800, $0x38;
	[tilespmem:$0x16C00] =	vst v63  }
0x41: {  	_ =	swait.ge [sflag:s3], $0x6800  }
0x42: {  	[sflag:s3] =	ssyncset.done $0x0  }
0x43: {  	s25 =	simm.s32 $0x2D80;
	[sflag:s3] =	ssyncadd.s32 $0xFFFF9800  }
0x44: {  	[tilespmem:s11], [sflag:$0x2] =	stream.indirect.gather [hbm4b:s9+s10], $0x10, s25, s10, $0xb8;
	[tilespmem:$0x16C00] =	vst v63  }
0x45: {  	_ =	swait.ge [sflag:s12], $0x6800  }
0x46: {  	[sflag:s12] =	ssyncset.done $0x0  }
0x47: {  	s26 =	sadd.s32 $0x4E00, s28;
	[sflag:s12] =	ssyncadd.s32 $0xFFFF9800  }
0x48: {  	[hbm4b:s26+s2] =	stream.linear.scatter [tilespmem:s7], [sflag:$0x4], $0x6800, $0x38;
	[tilespmem:$0x16C00] =	vst v63  }
0x49: {  	_ =	swait.ge [sflag:s3], $0x6800  }
0x4a: {  	[sflag:s3] =	ssyncset.done $0x0  }
0x4b: {  	[sflag:s3] =	ssyncadd.s32 $0xFFFF9800  }
0x4c: {  	_ =	swait.ge [sflag:s15], $0x6800  }
0x4d: {  	[sflag:s15] =	ssyncset.done $0x0  }
0x4e: {  	s31 =	ssub.s32 $0x2, s29;
	s28 =	sadd.s32 $0x5B00, s28;
	[sflag:s15] =	ssyncadd.s32 $0xFFFF9800  }
0x4f: {  	[hbm4b:s28+s2] =	stream.linear.scatter [tilespmem:s11], [sflag:$0x4], $0x6800, $0x38;
	[tilespmem:$0x16C00] =	vst v63  }
0x50: {  	s1 =	sshrl.u32 s31, $0x1;
	_ =	swait.ge [sflag:s3], $0x6800  }
0x51: {  	s1 =	ssub.s32 s31, s1;
	[sflag:s3] =	ssyncset.done $0x0  }
0x52: {  	s29 =	simm.s32 $0x3;
	s1 =	smax.u32 s1, $0x1;
	[sflag:s3] =	ssyncadd.s32 $0xFFFF9800  }
0x53: {  	p0 =	sne.s32 s1, $0x1;
	_ =	swait.ge [sflag:s29], $0x3400  }
.Ltmp0:
0x54: {  	[sflag:s29] =	ssyncset.done $0x0;
	(pc) =	sbr.rel @!p0 .LBB2_2-.Ltmp0, $4  }
0x55: {  	s30 =	sadd.s32 $0x7BBE00, s30;
	[sflag:s29] =	ssyncadd.s32 $0xFFFFCC00  }
0x56: {  	[hbm4b:s30+s2] =	stream.linear.scatter [tilespmem:s8], [sflag:$0x4], $0x3400, $0x38;
	[tilespmem:$0x16C00] =	vst v63  }
0x57: {  	_ =	swait.ge [sflag:s3], $0x3400  }
0x58: {  	s31 =	sadd.s32 $0xFFFFFFFF, s1;
	[sflag:s3] =	ssyncset.done $0x0  }
.LBB2_1:
0x59: {  	[sflag:s3] =	ssyncadd.s32 $0xFFFFCC00  }
0x5a: {  	[tilespmem:s2], [sflag:$0x4] =	stream.linear.gather [hbm4b:s4+s2], $0x3400, $0x38;
	[tilespmem:$0x16C00] =	vst v63  }
0x5b: {  	_ =	swait.ge [sflag:s3], $0x3400  }
0x5c: {  	[sflag:s3] =	ssyncset.done $0x0  }
0x5d: {  	[sflag:s3] =	ssyncadd.s32 $0xFFFFCC00  }
0x5e: {  	[tilespmem:s6], [sflag:$0x4] =	stream.linear.gather [hbm4b:s5+s2], $0x3400, $0x38;
	[tilespmem:$0x16C00] =	vst v63  }
0x5f: {  	_ =	swait.ge [sflag:s3], $0x3400  }
0x60: {  	[sflag:s3] =	ssyncset.done $0x0  }
0x61: {  	s1 =	rddreg [dreg:$0x2];
	[sflag:s3] =	ssyncadd.s32 $0xFFFFCC00  }
0x62: {  	[tilespmem:s8], [sflag:$0x3] =	stream.indirect.gather [hbm4b:s1+s7], $0x1, s6, s7, $0xb8;
	[tilespmem:$0x16C00] =	vst v63  }
0x63: {  	_ = 	snop  }
0x64: {  	[tilespmem:s7], [sflag:$0x1] =	stream.indirect.gather [hbm4b:s9+s10], $0x10, s2, s10, $0xb8;
	[tilespmem:$0x16C00] =	vst v63  }
0x65: {  	_ = 	snop  }
0x66: {  	[tilespmem:s11], [sflag:$0x2] =	stream.indirect.gather [hbm4b:s9+s10], $0x10, s10, s10, $0xb8;
	[tilespmem:$0x16C00] =	vst v63  }
0x67: {  	_ =	swait.ge [sflag:s12], $0x6800  }
0x68: {  	[sflag:s12] =	ssyncset.done $0x0  }
0x69: {  	[sflag:s12] =	ssyncadd.s32 $0xFFFF9800  }
0x6a: {  	[hbm4b:s13+s2] =	stream.linear.scatter [tilespmem:s7], [sflag:$0x4], $0x6800, $0x38;
	[tilespmem:$0x16C00] =	vst v63  }
0x6b: {  	_ =	swait.ge [sflag:s3], $0x6800  }
0x6c: {  	[sflag:s3] =	ssyncset.done $0x0  }
0x6d: {  	[sflag:s3] =	ssyncadd.s32 $0xFFFF9800  }
0x6e: {  	[tilespmem:s7], [sflag:$0x1] =	stream.indirect.gather [hbm4b:s9+s10], $0x10, s14, s10, $0xb8;
	[tilespmem:$0x16C00] =	vst v63  }
0x6f: {  	_ =	swait.ge [sflag:s15], $0x6800  }
0x70: {  	[sflag:s15] =	ssyncset.done $0x0  }
0x71: {  	[sflag:s15] =	ssyncadd.s32 $0xFFFF9800  }
0x72: {  	[hbm4b:s16+s2] =	stream.linear.scatter [tilespmem:s11], [sflag:$0x4], $0x6800, $0x38;
	[tilespmem:$0x16C00] =	vst v63  }
0x73: {  	_ =	swait.ge [sflag:s3], $0x6800  }
0x74: {  	[sflag:s3] =	ssyncset.done $0x0  }
0x75: {  	[sflag:s3] =	ssyncadd.s32 $0xFFFF9800  }
0x76: {  	[tilespmem:s11], [sflag:$0x2] =	stream.indirect.gather [hbm4b:s9+s10], $0x10, s17, s10, $0xb8;
	[tilespmem:$0x16C00] =	vst v63  }
0x77: {  	_ =	swait.ge [sflag:s12], $0x6800  }
0x78: {  	[sflag:s12] =	ssyncset.done $0x0  }
0x79: {  	[sflag:s12] =	ssyncadd.s32 $0xFFFF9800  }
0x7a: {  	[hbm4b:s18+s2] =	stream.linear.scatter [tilespmem:s7], [sflag:$0x4], $0x6800, $0x38;
	[tilespmem:$0x16C00] =	vst v63  }
0x7b: {  	_ =	swait.ge [sflag:s3], $0x6800  }
0x7c: {  	[sflag:s3] =	ssyncset.done $0x0  }
0x7d: {  	[sflag:s3] =	ssyncadd.s32 $0xFFFF9800  }
0x7e: {  	[tilespmem:s7], [sflag:$0x1] =	stream.indirect.gather [hbm4b:s9+s10], $0x10, s19, s10, $0xb8;
	[tilespmem:$0x16C00] =	vst v63  }
0x7f: {  	_ =	swait.ge [sflag:s15], $0x6800  }
0x80: {  	[sflag:s15] =	ssyncset.done $0x0  }
0x81: {  	[sflag:s15] =	ssyncadd.s32 $0xFFFF9800  }
0x82: {  	[hbm4b:s20+s2] =	stream.linear.scatter [tilespmem:s11], [sflag:$0x4], $0x6800, $0x38;
	[tilespmem:$0x16C00] =	vst v63  }
0x83: {  	_ =	swait.ge [sflag:s3], $0x6800  }
0x84: {  	[sflag:s3] =	ssyncset.done $0x0  }
0x85: {  	[sflag:s3] =	ssyncadd.s32 $0xFFFF9800  }
0x86: {  	[tilespmem:s11], [sflag:$0x2] =	stream.indirect.gather [hbm4b:s9+s10], $0x10, s21, s10, $0xb8;
	[tilespmem:$0x16C00] =	vst v63  }
0x87: {  	_ =	swait.ge [sflag:s12], $0x6800  }
0x88: {  	[sflag:s12] =	ssyncset.done $0x0  }
0x89: {  	[sflag:s12] =	ssyncadd.s32 $0xFFFF9800  }
0x8a: {  	[hbm4b:s22+s2] =	stream.linear.scatter [tilespmem:s7], [sflag:$0x4], $0x6800, $0x38;
	[tilespmem:$0x16C00] =	vst v63  }
0x8b: {  	_ =	swait.ge [sflag:s3], $0x6800  }
0x8c: {  	[sflag:s3] =	ssyncset.done $0x0  }
0x8d: {  	[sflag:s3] =	ssyncadd.s32 $0xFFFF9800  }
0x8e: {  	[tilespmem:s7], [sflag:$0x1] =	stream.indirect.gather [hbm4b:s9+s10], $0x10, s23, s10, $0xb8;
	[tilespmem:$0x16C00] =	vst v63  }
0x8f: {  	_ =	swait.ge [sflag:s15], $0x6800  }
0x90: {  	[sflag:s15] =	ssyncset.done $0x0  }
0x91: {  	[sflag:s15] =	ssyncadd.s32 $0xFFFF9800  }
0x92: {  	[hbm4b:s24+s2] =	stream.linear.scatter [tilespmem:s11], [sflag:$0x4], $0x6800, $0x38;
	[tilespmem:$0x16C00] =	vst v63  }
0x93: {  	_ =	swait.ge [sflag:s3], $0x6800  }
0x94: {  	[sflag:s3] =	ssyncset.done $0x0  }
0x95: {  	[sflag:s3] =	ssyncadd.s32 $0xFFFF9800  }
0x96: {  	[tilespmem:s11], [sflag:$0x2] =	stream.indirect.gather [hbm4b:s9+s10], $0x10, s25, s10, $0xb8;
	[tilespmem:$0x16C00] =	vst v63  }
0x97: {  	_ =	swait.ge [sflag:s12], $0x6800  }
0x98: {  	[sflag:s12] =	ssyncset.done $0x0  }
0x99: {  	[sflag:s12] =	ssyncadd.s32 $0xFFFF9800  }
0x9a: {  	[hbm4b:s26+s2] =	stream.linear.scatter [tilespmem:s7], [sflag:$0x4], $0x6800, $0x38;
	[tilespmem:$0x16C00] =	vst v63  }
0x9b: {  	_ =	swait.ge [sflag:s3], $0x6800  }
0x9c: {  	[sflag:s3] =	ssyncset.done $0x0  }
0x9d: {  	[sflag:s3] =	ssyncadd.s32 $0xFFFF9800  }
0x9e: {  	_ =	swait.ge [sflag:s15], $0x6800  }
0x9f: {  	[sflag:s15] =	ssyncset.done $0x0  }
0xa0: {  	[sflag:s15] =	ssyncadd.s32 $0xFFFF9800  }
0xa1: {  	[hbm4b:s28+s2] =	stream.linear.scatter [tilespmem:s11], [sflag:$0x4], $0x6800, $0x38;
	[tilespmem:$0x16C00] =	vst v63  }
0xa2: {  	_ =	swait.ge [sflag:s3], $0x6800  }
0xa3: {  	[sflag:s3] =	ssyncset.done $0x0  }
0xa4: {  	[sflag:s3] =	ssyncadd.s32 $0xFFFF9800  }
0xa5: {  	p0 =	sne.s32 s31, $0x1;
	_ =	swait.ge [sflag:s29], $0x3400  }
.Ltmp1:
0xa6: {  	[sflag:s29] =	ssyncset.done $0x0;
	(pc) =	sbr.rel @p0 .LBB2_1-.Ltmp1, $4  }
0xa7: {  	[sflag:s29] =	ssyncadd.s32 $0xFFFFCC00  }
0xa8: {  	[hbm4b:s30+s2] =	stream.linear.scatter [tilespmem:s8], [sflag:$0x4], $0x3400, $0x38;
	[tilespmem:$0x16C00] =	vst v63  }
0xa9: {  	_ =	swait.ge [sflag:s3], $0x3400  }
0xaa: {  	s31 =	sadd.s32 $0xFFFFFFFF, s31;
	[sflag:s3] =	ssyncset.done $0x0  }
.LBB2_2:
0xab: {  	[sflag:s3] =	ssyncadd.s32 $0xFFFFCC00  }
0xac: {  	_ =	sfence.sel $0x180000  }
0xad: {  	[bflag:$0x0] =	sbarrier.arrive $0xFFFF  }
0xae: {  	_ =	strace $0x90000047  }
0xaf: {  	[bflag:$0x2] =	sbarrier.arrive $0xFFFF  }
0xb0: {  	p0 =	sne.s32 s0, $0x0;
	s0 =	rddreg [dreg:$0x1]  }
0xb1: {  	s0 =	sadd.s32 @!p0 $0x100000, s0  }
0xb2: {  	[sflag:s0] =	ssyncadd.tile.s32 @!p0 $0x1;
	_ =	shalt  }
.Lfunc_end2:
_tile_overlayer_lowered:
.L_overlay_start_2:
0xb3: {  	(tag) =	ssettag $0x2  }
0xb4: {  	s0 =	rddreg [dreg:$0x0];
	s2 =	stileid.u32  }
0xb5: {  	s1 =	rddreg [dreg:$0x1];
	p0 =	sne.s32 s2, $0x0  }
0xb6: {  	s3 =	rddreg [dreg:$0x2];
	[bflag:$0x3] =	sbarrier.arrive $0xFFFF;
	s2 =	simm.s32 @!p0 $0x1C04  }
0xb7: {  	[timem:s3], [sflag:s2] =	dma.local @!p0 [hbm:s0], s1  }
0xb8: {  	s0 =	simm.s32 @!p0 $0x4  }
0xb9: {  	_ =	swait.ge @!p0 [sflag:s0], s1  }
0xba: {  	s1 =	ssub.s32 @!p0 $0x0, s1;
	[sflag:s0] =	ssyncset.done @!p0 $0x0  }
0xbb: {  	[sflag:s0] =	ssyncadd.s32 @!p0 s1  }
0xbc: {  	[bflag:$0x3] =	sbarrier.arrive $0xFFFF  }
0xbd: {  	_ =	shalt  }

</sc_bundles>
